<compile_context>
chip_gen: v7x
topology: tpu7x:2x2x1
jax: 0.10.2.dev20260603
libtpu: 0.0.44.dev20260713+nightly
codegen_flags: <defaults>
</compile_context>

<pallas_src>
import functools

import jax
import jax.numpy as jnp
from jax import lax
from jax.experimental import pallas as pl
from jax.experimental.pallas import tpu as pltpu
from jax.experimental.pallas import tpu_sc as plsc

VOCAB = 100000
EDIM = 128
CTX = 200
HID = 128

_NC, _NS = 1, 16
_BPW = 16
_NFULL = CTX // _BPW
_TAILB = CTX - _BPW

_KT = 6400
_NK = (CTX * EDIM) // _KT
_VT = 2048
_NV = -(-VOCAB // _VT)
_NST = 6
_CNT = [_NV - (_NST - 1) * (_NV // _NST)] + [_NV // _NST] * (_NST - 1)
_START = [sum(_CNT[:s]) for s in range(_NST)]
_NP2 = _CNT[0]
_LASTW = VOCAB - (_NV - 1) * _VT


def _sc_gather_body(table_hbm, idx_hbm, w1_hbm, out_hbm, idx_v, rows_v, sem):
    del w1_hbm
    wid = lax.axis_index("s")

    @pl.when(wid <= _NFULL)
    def _():
        base = jnp.where(wid < _NFULL, wid * _BPW, _TAILB)
        pltpu.sync_copy(idx_hbm.at[pl.ds(base, _BPW)], idx_v)
        pltpu.async_copy(table_hbm.at[idx_v], rows_v, sem).wait()
        pltpu.sync_copy(rows_v, out_hbm.at[pl.ds(base, _BPW)])


@functools.lru_cache(maxsize=1)
def _sc_gather():
    return pl.kernel(
        _sc_gather_body,
        out_type=jax.ShapeDtypeStruct((CTX, EDIM), jnp.float32),
        mesh=plsc.VectorSubcoreMesh(core_axis_name="c", subcore_axis_name="s",
                                    num_cores=_NC),
        scratch_types=[
            pltpu.VMEM((_BPW,), jnp.int32),
            pltpu.VMEM((_BPW, EDIM), jnp.float32),
            pltpu.SemaphoreType.DMA,
        ],
    )


def _vocab_tile(tile, is_ragged, wref, b2_ref, out_ref,
                acc_ref, m_ref, s_ref, mh_ref):
    h = acc_ref[...]
    lt = lax.dot_general(h, wref[...],
                         (((1,), (1,)), ((), ())),
                         preferred_element_type=jnp.float32)
    lt = lt + b2_ref[...].reshape(1, _VT)
    if is_ragged:
        col = lax.broadcasted_iota(jnp.int32, (1, _VT), 1)
        lt = jnp.where(col < _LASTW, lt, -jnp.inf)

    m_old = m_ref[0, 0]
    m_new = jnp.maximum(m_old, jnp.max(lt))
    et = jnp.exp(lt - m_new)
    s_ref[0, 0] = s_ref[0, 0] * jnp.exp(m_old - m_new) + jnp.sum(et)
    m_ref[0, 0] = m_new
    mh_ref[tile, 0] = m_new
    if is_ragged:
        out_ref[0:1, pl.ds((_NV - 1) * _VT, _LASTW)] = et[:, :_LASTW]
    else:
        out_ref[0:1, pl.ds(tile * _VT, _VT)] = et


def _w1_copy(w1_hbm, w1buf, sems, c):
    return pltpu.make_async_copy(
        w1_hbm.at[pl.ds(c * _KT, _KT)], w1buf.at[c % 4], sems.at[c % 4])


def _mlp_body(*refs):
    (x_ref, w1_hbm, b1_ref), rest = refs[:3], refs[3:]
    w_refs, rest = rest[:_NST], rest[_NST:]
    b_refs, rest = rest[:_NST], rest[_NST:]
    out_ref, w1buf, sems, acc_ref, m_ref, s_ref, mh_ref = rest
    t = pl.program_id(0)

    @pl.when(t == 0)
    def _prime():
        for c in range(3):
            _w1_copy(w1_hbm, w1buf, sems, c).start()

    @pl.when(t < _NK)
    def _phase1():
        @pl.when(t == 0)
        def _():
            acc_ref[...] = jnp.zeros_like(acc_ref)
        _w1_copy(w1_hbm, w1buf, sems, t).wait()
        acc_ref[...] += jnp.dot(x_ref[0:1, pl.ds(t * _KT, _KT)],
                                w1buf[t % 4],
                                preferred_element_type=jnp.float32)

        @pl.when(t + 3 < _NK)
        def _():
            _w1_copy(w1_hbm, w1buf, sems, t + 3).start()

    @pl.when(t >= _NK)
    def _phase2():
        j = t - _NK

        @pl.when(j == 0)
        def _():
            acc_ref[...] = jnp.maximum(acc_ref[...] + b1_ref[...], 0.0)
            m_ref[0, 0] = -jnp.inf
            s_ref[0, 0] = 0.0

        base = (out_ref, acc_ref, m_ref, s_ref, mh_ref)
        _vocab_tile(_START[0] + j, False, w_refs[0], b_refs[0], *base)
        for s in range(1, _NST - 1):
            @pl.when(j < _CNT[s])
            def _(s=s):
                _vocab_tile(_START[s] + j, False, w_refs[s], b_refs[s], *base)

        sl = _NST - 1

        @pl.when(j < _CNT[sl] - 1)
        def _():
            _vocab_tile(_START[sl] + j, False, w_refs[sl], b_refs[sl], *base)

        @pl.when(j == _CNT[sl] - 1)
        def _():
            _vocab_tile(_START[sl] + j, True, w_refs[sl], b_refs[sl], *base)

        @pl.when(j == _NP2 - 1)
        def _finalize():
            m_fin = m_ref[0, 0]
            inv_s = 1.0 / s_ref[0, 0]
            for jj in range(_NV):
                c = jnp.exp(mh_ref[jj, 0] - m_fin) * inv_s
                w = _VT if jj < _NV - 1 else _LASTW
                sl2 = (slice(0, 1), pl.ds(jj * _VT, w))
                out_ref[sl2] = out_ref[sl2] * c


def _w2_spec(s):
    return pl.BlockSpec(
        (_VT, HID),
        lambda t, s=s: (_START[s] + jnp.clip(t - _NK, 0, _CNT[s] - 1), 0))


def _b2_spec(s):
    return pl.BlockSpec(
        (_VT,),
        lambda t, s=s: (_START[s] + jnp.clip(t - _NK, 0, _CNT[s] - 1),))


def _mlp_softmax(x, w1, b1, w2t, b2):
    return pl.pallas_call(
        _mlp_body,
        grid=(_NK + _NP2,),
        in_specs=[
            pl.BlockSpec((1, CTX * EDIM), lambda t: (0, 0)),
            pl.BlockSpec(memory_space=pltpu.MemorySpace.HBM),
            pl.BlockSpec((1, HID), lambda t: (0, 0)),
        ] + [_w2_spec(s) for s in range(_NST)]
          + [_b2_spec(s) for s in range(_NST)],
        out_specs=pl.BlockSpec((1, VOCAB), lambda t: (0, 0)),
        out_shape=jax.ShapeDtypeStruct((1, VOCAB), jnp.float32),
        scratch_shapes=[
            pltpu.VMEM((4, _KT, HID), jnp.float32),
            pltpu.SemaphoreType.DMA((4,)),
            pltpu.VMEM((1, HID), jnp.float32),
            pltpu.SMEM((1, 1), jnp.float32),
            pltpu.SMEM((1, 1), jnp.float32),
            pltpu.SMEM((_NV, 1), jnp.float32),
        ],
    )(x, w1, b1, *([w2t] * _NST), *([b2] * _NST))


def kernel(input, emb_table, W1, b1, W2, b2):
    embeds = _sc_gather()(emb_table, input.astype(jnp.int32), W1)
    x = embeds.reshape(1, CTX * EDIM)
    return _mlp_softmax(x, W1, b1.reshape(1, HID), W2.T, b2)

# --- scband reference (transcript-rebuilt; emitter-appended) ---
"""Pipeline reference for scband-ngram-lm-60481729462826 (READ-ONLY COPY).

The authoritative reference and input builder live on the scoring server;
editing this copy changes nothing except your own understanding.
"""

import jax, jax.numpy as jnp
import numpy as np

VOCAB_SIZE = 100000
EMBEDDING_DIM = 128
CONTEXT_SIZE = 200
HIDDEN = 128


def setup_inputs(seed: int = 0) -> dict:
    key = jax.random.key(seed)
    k1, k2, k3, k4, k5, k6 = jax.random.split(key, 6)
    inp = jax.random.randint(k1, (CONTEXT_SIZE,), 0, VOCAB_SIZE)
    emb_table = jax.random.normal(k2, (VOCAB_SIZE, EMBEDDING_DIM), dtype=jnp.float32)
    W1 = jax.random.normal(k3, (CONTEXT_SIZE * EMBEDDING_DIM, HIDDEN), dtype=jnp.float32) * 0.02
    b1 = jax.random.normal(k4, (HIDDEN,), dtype=jnp.float32) * 0.02
    W2 = jax.random.normal(k5, (HIDDEN, VOCAB_SIZE), dtype=jnp.float32) * 0.02
    b2 = jax.random.normal(k6, (VOCAB_SIZE,), dtype=jnp.float32) * 0.02
    return {"input": inp, "emb_table": emb_table, "W1": W1, "b1": b1, "W2": W2, "b2": b2}


def reference(input, emb_table, W1, b1, W2, b2):
    # embedding gather -> SparseCore-friendly jnp.take
    embeds = jnp.take(emb_table, input, axis=0).reshape(1, -1)
    out = embeds @ W1 + b1
    out = jax.nn.relu(out)
    out = out @ W2 + b2
    # F.softmax on 2D tensor (legacy implicit dim) -> softmax over dim 1
    return jax.nn.softmax(out, axis=1)

if __name__ == "__main__":
    import jax
    _d = setup_inputs()
    print(jax.jit(kernel)(*tuple(_d.values())))

</pallas_src>

<mosaic_0001>
#map = affine_map<(d0, d1) -> (0, 0)>
#map1 = affine_map<(d0, d1) -> (0)>
module attributes {stable_mosaic.version = 14 : i64} {
  func.func @_sc_gather_body(%arg0: i32, %arg1: i32, %arg2: memref<100000x128xf32, #tpu.memory_space<hbm>>, %arg3: memref<200xi32, #tpu.memory_space<hbm>>, %arg4: memref<25600x128xf32, #tpu.memory_space<hbm>>, %arg5: memref<200x128xf32, #tpu.memory_space<hbm>>, %arg6: memref<16xi32, #tpu.memory_space<vmem>>, %arg7: memref<16x128xf32, #tpu.memory_space<vmem>>, %arg8: memref<!tpu.dma_semaphore, #tpu.memory_space<semaphore_mem>>) attributes {dimension_semantics = [#tpu.dimension_semantics<core_parallel>, #tpu.dimension_semantics<subcore_parallel>], iteration_bounds = array<i64: 1, 16>, scalar_prefetch = 0 : i64, scratch_operands = 3 : i64, tpu.core_type = #tpu.core_type<sc_vector_subcore>, window_params = [{transform_indices = #map}, {transform_indices = #map1}, {transform_indices = #map}, {transform_indices = #map}]} {
    %le3A = arith.constant 12 : i32
    %le3A_0 = arith.cmpi sle, %arg1, %le3A : i32
    %convert_element_type3A = arith.extui %le3A_0 : i1 to i32
    %cond3A = arith.constant 0 : i32
    %cond3A_1 = arith.cmpi ne, %convert_element_type3A, %cond3A : i32
    scf.if %cond3A_1 {
      %lt3A = arith.constant 12 : i32
      %lt3A_2 = arith.cmpi slt, %arg1, %lt3A : i32
      %mul3A = arith.constant 16 : i32
      %mul3A_3 = arith.muli %arg1, %mul3A : i32
      %jit3A = arith.constant 184 : i32
      %select_n3A = arith.select %lt3A_2, %mul3A_3, %jit3A : i32
      "tpu.region"() ({
        %run_scoped3A = tpu.sem_alloc : memref<!tpu.dma_semaphore, #tpu.memory_space<semaphore_mem>>
        %dma_start3A_8 = tpu.memref_slice %arg3[%select_n3A] : memref<200xi32, #tpu.memory_space<hbm>> -> memref<16xi32, #tpu.memory_space<hbm>>
        %dma_start3A_9 = tpu.memref_slice %arg3[%select_n3A] : memref<200xi32, #tpu.memory_space<hbm>> -> memref<16xi32, #tpu.memory_space<hbm>>
        tpu.enqueue_dma source(%dma_start3A_9 : memref<16xi32, #tpu.memory_space<hbm>>) target(%arg6 : memref<16xi32, #tpu.memory_space<vmem>>) target_semaphore(%run_scoped3A : memref<!tpu.dma_semaphore, #tpu.memory_space<semaphore_mem>>)
        %dma_wait3A_10 = tpu.memref_slice %arg3[%select_n3A] : memref<200xi32, #tpu.memory_space<hbm>> -> memref<16xi32, #tpu.memory_space<hbm>>
        %dma_wait3A_11 = tpu.memref_slice %arg3[%select_n3A] : memref<200xi32, #tpu.memory_space<hbm>> -> memref<16xi32, #tpu.memory_space<hbm>>
        tpu.wait_dma2 semaphore(%run_scoped3A : memref<!tpu.dma_semaphore, #tpu.memory_space<semaphore_mem>>) src(%dma_wait3A_11 : memref<16xi32, #tpu.memory_space<hbm>>) dst(%arg6 : memref<16xi32, #tpu.memory_space<vmem>>)
        tpu.yield
      }) : () -> ()
      %dma_start3A = arith.constant 0 : i32
      %dma_start3A_4 = arith.constant 0 : i32
      %dma_start3A_5 = tpu.memref_slice %arg2[%dma_start3A, %dma_start3A_4] : memref<100000x128xf32, #tpu.memory_space<hbm>> -> memref<100000x128xf32, #tpu.memory_space<hbm>>
      tpu.enqueue_indirect_dma source(%dma_start3A_5 : memref<100000x128xf32, #tpu.memory_space<hbm>>) target(%arg7 : memref<16x128xf32, #tpu.memory_space<vmem>>) offsets(%arg6 : memref<16xi32, #tpu.memory_space<vmem>>) semaphore(%arg8 : memref<!tpu.dma_semaphore, #tpu.memory_space<semaphore_mem>>)
      %dma_wait3A = arith.constant 0 : i32
      %dma_wait3A_6 = arith.constant 0 : i32
      %dma_wait3A_7 = tpu.memref_slice %arg2[%dma_wait3A, %dma_wait3A_6] : memref<100000x128xf32, #tpu.memory_space<hbm>> -> memref<100000x128xf32, #tpu.memory_space<hbm>>
      tpu.wait_indirect_dma semaphore(%arg8 : memref<!tpu.dma_semaphore, #tpu.memory_space<semaphore_mem>>) src(%dma_wait3A_7 : memref<100000x128xf32, #tpu.memory_space<hbm>>) dst(%arg7 : memref<16x128xf32, #tpu.memory_space<vmem>>)
      "tpu.region"() ({
        %run_scoped3A = tpu.sem_alloc : memref<!tpu.dma_semaphore, #tpu.memory_space<semaphore_mem>>
        %dma_start3A_8 = arith.constant 0 : i32
        %dma_start3A_9 = tpu.memref_slice %arg5[%select_n3A, %dma_start3A_8] : memref<200x128xf32, #tpu.memory_space<hbm>> -> memref<16x128xf32, #tpu.memory_space<hbm>>
        %dma_start3A_10 = arith.constant 0 : i32
        %dma_start3A_11 = tpu.memref_slice %arg5[%select_n3A, %dma_start3A_10] : memref<200x128xf32, #tpu.memory_space<hbm>> -> memref<16x128xf32, #tpu.memory_space<hbm>>
        tpu.enqueue_dma source(%arg7 : memref<16x128xf32, #tpu.memory_space<vmem>>) target(%dma_start3A_11 : memref<16x128xf32, #tpu.memory_space<hbm>>) target_semaphore(%run_scoped3A : memref<!tpu.dma_semaphore, #tpu.memory_space<semaphore_mem>>)
        %dma_wait3A_12 = arith.constant 0 : i32
        %dma_wait3A_13 = tpu.memref_slice %arg5[%select_n3A, %dma_wait3A_12] : memref<200x128xf32, #tpu.memory_space<hbm>> -> memref<16x128xf32, #tpu.memory_space<hbm>>
        %dma_wait3A_14 = arith.constant 0 : i32
        %dma_wait3A_15 = tpu.memref_slice %arg5[%select_n3A, %dma_wait3A_14] : memref<200x128xf32, #tpu.memory_space<hbm>> -> memref<16x128xf32, #tpu.memory_space<hbm>>
        tpu.wait_dma2 semaphore(%run_scoped3A : memref<!tpu.dma_semaphore, #tpu.memory_space<semaphore_mem>>) src(%arg7 : memref<16x128xf32, #tpu.memory_space<vmem>>) dst(%dma_wait3A_15 : memref<16x128xf32, #tpu.memory_space<hbm>>)
        tpu.yield
      }) : () -> ()
    } else {
    }
    return
  }
}

module attributes {stable_mosaic.version = 14 : i64} {
  func.func @_mlp_body(%arg0: i32, %arg1: memref<1x25600xf32, #tpu.memory_space<vmem>>, %arg2: memref<25600x128xf32, #tpu.memory_space<hbm>>, %arg3: memref<1x128xf32, #tpu.memory_space<vmem>>, %arg4: memref<2048x128xf32, #tpu.memory_space<vmem>>, %arg5: memref<2048x128xf32, #tpu.memory_space<vmem>>, %arg6: memref<2048x128xf32, #tpu.memory_space<vmem>>, %arg7: memref<2048x128xf32, #tpu.memory_space<vmem>>, %arg8: memref<2048x128xf32, #tpu.memory_space<vmem>>, %arg9: memref<2048x128xf32, #tpu.memory_space<vmem>>, %arg10: memref<2048xf32, #tpu.memory_space<vmem>>, %arg11: memref<2048xf32, #tpu.memory_space<vmem>>, %arg12: memref<2048xf32, #tpu.memory_space<vmem>>, %arg13: memref<2048xf32, #tpu.memory_space<vmem>>, %arg14: memref<2048xf32, #tpu.memory_space<vmem>>, %arg15: memref<2048xf32, #tpu.memory_space<vmem>>, %arg16: memref<1x100000xf32, #tpu.memory_space<vmem>>, %arg17: memref<4x6400x128xf32, #tpu.memory_space<vmem>>, %arg18: memref<4x!tpu.dma_semaphore, #tpu.memory_space<semaphore_mem>>, %arg19: memref<1x128xf32, #tpu.memory_space<vmem>>, %arg20: memref<1x1xf32, #tpu.memory_space<smem>>, %arg21: memref<1x1xf32, #tpu.memory_space<smem>>, %arg22: memref<49x1xf32, #tpu.memory_space<smem>>) attributes {dimension_semantics = [#tpu.dimension_semantics<arbitrary>], iteration_bounds = array<i64: 13>, scalar_prefetch = 0 : i64, scratch_operands = 6 : i64, tpu.core_type = #tpu.core_type<tc>, window_params = [{pipeline_mode = #tpu.pipeline_mode<synchronous>, transform_indices = @transform_0, window_bounds = array<i64: 1, 25600>}, {}, {pipeline_mode = #tpu.pipeline_mode<synchronous>, transform_indices = @transform_2, window_bounds = array<i64: 1, 128>}, {transform_indices = @transform_3, window_bounds = array<i64: 2048, 128>}, {transform_indices = @transform_4, window_bounds = array<i64: 2048, 128>}, {transform_indices = @transform_5, window_bounds = array<i64: 2048, 128>}, {transform_indices = @transform_6, window_bounds = array<i64: 2048, 128>}, {transform_indices = @transform_7, window_bounds = array<i64: 2048, 128>}, {transform_indices = @transform_8, window_bounds = array<i64: 2048, 128>}, {transform_indices = @transform_9, window_bounds = array<i64: 2048>}, {transform_indices = @transform_10, window_bounds = array<i64: 2048>}, {transform_indices = @transform_11, window_bounds = array<i64: 2048>}, {transform_indices = @transform_12, window_bounds = array<i64: 2048>}, {transform_indices = @transform_13, window_bounds = array<i64: 2048>}, {transform_indices = @transform_14, window_bounds = array<i64: 2048>}, {pipeline_mode = #tpu.pipeline_mode<synchronous>, transform_indices = @transform_15, window_bounds = array<i64: 1, 100000>}]} {
    %eq3A = arith.constant 0 : i32
    %eq3A_0 = arith.cmpi eq, %arg0, %eq3A : i32
    %convert_element_type3A = arith.extui %eq3A_0 : i1 to i32
    %cond3A = arith.constant 0 : i32
    %cond3A_1 = arith.cmpi ne, %convert_element_type3A, %cond3A : i32
    scf.if %cond3A_1 {
      %dma_start3A = arith.constant 0 : i32
      %dma_start3A_10 = arith.constant 0 : i32
      %dma_start3A_11 = tpu.memref_slice %arg18[%dma_start3A_10] : memref<4x!tpu.dma_semaphore, #tpu.memory_space<semaphore_mem>> -> memref<1x!tpu.dma_semaphore, #tpu.memory_space<semaphore_mem>>
      %dma_start3A_12 = tpu.memref_squeeze %dma_start3A_11 : memref<1x!tpu.dma_semaphore, #tpu.memory_space<semaphore_mem>> -> memref<!tpu.dma_semaphore, #tpu.memory_space<semaphore_mem>>
      %dma_start3A_13 = arith.constant 0 : i32
      %dma_start3A_14 = arith.constant 0 : i32
      %dma_start3A_15 = tpu.memref_slice %arg17[%dma_start3A, %dma_start3A_13, %dma_start3A_14] : memref<4x6400x128xf32, #tpu.memory_space<vmem>> -> memref<1x6400x128xf32, #tpu.memory_space<vmem>>
      %dma_start3A_16 = tpu.memref_squeeze %dma_start3A_15 : memref<1x6400x128xf32, #tpu.memory_space<vmem>> -> memref<6400x128xf32, #tpu.memory_space<vmem>>
      %dma_start3A_17 = arith.constant 0 : i32
      %dma_start3A_18 = arith.constant 0 : i32
      %dma_start3A_19 = tpu.memref_slice %arg2[%dma_start3A_17, %dma_start3A_18] : memref<25600x128xf32, #tpu.memory_space<hbm>> -> memref<6400x128xf32, #tpu.memory_space<hbm>>
      tpu.enqueue_dma source(%dma_start3A_19 : memref<6400x128xf32, #tpu.memory_space<hbm>>) target(%dma_start3A_16 : memref<6400x128xf32, #tpu.memory_space<vmem>>) target_semaphore(%dma_start3A_12 : memref<!tpu.dma_semaphore, #tpu.memory_space<semaphore_mem>>)
      %dma_start3A_20 = arith.constant 1 : i32
      %dma_start3A_21 = arith.constant 1 : i32
      %dma_start3A_22 = tpu.memref_slice %arg18[%dma_start3A_21] : memref<4x!tpu.dma_semaphore, #tpu.memory_space<semaphore_mem>> -> memref<1x!tpu.dma_semaphore, #tpu.memory_space<semaphore_mem>>
      %dma_start3A_23 = tpu.memref_squeeze %dma_start3A_22 : memref<1x!tpu.dma_semaphore, #tpu.memory_space<semaphore_mem>> -> memref<!tpu.dma_semaphore, #tpu.memory_space<semaphore_mem>>
      %dma_start3A_24 = arith.constant 0 : i32
      %dma_start3A_25 = arith.constant 0 : i32
      %dma_start3A_26 = tpu.memref_slice %arg17[%dma_start3A_20, %dma_start3A_24, %dma_start3A_25] : memref<4x6400x128xf32, #tpu.memory_space<vmem>> -> memref<1x6400x128xf32, #tpu.memory_space<vmem>>
      %dma_start3A_27 = tpu.memref_squeeze %dma_start3A_26 : memref<1x6400x128xf32, #tpu.memory_space<vmem>> -> memref<6400x128xf32, #tpu.memory_space<vmem>>
      %dma_start3A_28 = arith.constant 6400 : i32
      %dma_start3A_29 = arith.constant 0 : i32
      %dma_start3A_30 = tpu.memref_slice %arg2[%dma_start3A_28, %dma_start3A_29] : memref<25600x128xf32, #tpu.memory_space<hbm>> -> memref<6400x128xf32, #tpu.memory_space<hbm>>
      tpu.enqueue_dma source(%dma_start3A_30 : memref<6400x128xf32, #tpu.memory_space<hbm>>) target(%dma_start3A_27 : memref<6400x128xf32, #tpu.memory_space<vmem>>) target_semaphore(%dma_start3A_23 : memref<!tpu.dma_semaphore, #tpu.memory_space<semaphore_mem>>)
      %dma_start3A_31 = arith.constant 2 : i32
      %dma_start3A_32 = arith.constant 2 : i32
      %dma_start3A_33 = tpu.memref_slice %arg18[%dma_start3A_32] : memref<4x!tpu.dma_semaphore, #tpu.memory_space<semaphore_mem>> -> memref<1x!tpu.dma_semaphore, #tpu.memory_space<semaphore_mem>>
      %dma_start3A_34 = tpu.memref_squeeze %dma_start3A_33 : memref<1x!tpu.dma_semaphore, #tpu.memory_space<semaphore_mem>> -> memref<!tpu.dma_semaphore, #tpu.memory_space<semaphore_mem>>
      %dma_start3A_35 = arith.constant 0 : i32
      %dma_start3A_36 = arith.constant 0 : i32
      %dma_start3A_37 = tpu.memref_slice %arg17[%dma_start3A_31, %dma_start3A_35, %dma_start3A_36] : memref<4x6400x128xf32, #tpu.memory_space<vmem>> -> memref<1x6400x128xf32, #tpu.memory_space<vmem>>
      %dma_start3A_38 = tpu.memref_squeeze %dma_start3A_37 : memref<1x6400x128xf32, #tpu.memory_space<vmem>> -> memref<6400x128xf32, #tpu.memory_space<vmem>>
      %dma_start3A_39 = arith.constant 12800 : i32
      %dma_start3A_40 = arith.constant 0 : i32
      %dma_start3A_41 = tpu.memref_slice %arg2[%dma_start3A_39, %dma_start3A_40] : memref<25600x128xf32, #tpu.memory_space<hbm>> -> memref<6400x128xf32, #tpu.memory_space<hbm>>
      tpu.enqueue_dma source(%dma_start3A_41 : memref<6400x128xf32, #tpu.memory_space<hbm>>) target(%dma_start3A_38 : memref<6400x128xf32, #tpu.memory_space<vmem>>) target_semaphore(%dma_start3A_34 : memref<!tpu.dma_semaphore, #tpu.memory_space<semaphore_mem>>)
    } else {
    }
    %lt3A = arith.constant 4 : i32
    %lt3A_2 = arith.cmpi slt, %arg0, %lt3A : i32
    %convert_element_type3A_3 = arith.extui %lt3A_2 : i1 to i32
    %cond3A_4 = arith.constant 0 : i32
    %cond3A_5 = arith.cmpi ne, %convert_element_type3A_3, %cond3A_4 : i32
    scf.if %cond3A_5 {
      %eq3A_10 = arith.constant 0 : i32
      %eq3A_11 = arith.cmpi eq, %arg0, %eq3A_10 : i32
      %convert_element_type3A_12 = arith.extui %eq3A_11 : i1 to i32
      %cond3A_13 = arith.constant 0 : i32
      %cond3A_14 = arith.cmpi ne, %convert_element_type3A_12, %cond3A_13 : i32
      scf.if %cond3A_14 {
        %broadcast_in_dim3A = arith.constant 0.000000e+00 : f32
        %broadcast_in_dim3A_88 = vector.broadcast %broadcast_in_dim3A : f32 to vector<1x128xf32>
        %swap3A_89 = arith.constant 0 : index
        %swap3A_90 = arith.constant 0 : index
        %swap3A_91 = vector.load %arg19[%swap3A_89, %swap3A_90] : memref<1x128xf32, #tpu.memory_space<vmem>>, vector<1x128xf32>
        tpu.vector_store %arg19[%swap3A_89, %swap3A_90], %broadcast_in_dim3A_88 {strides = array<i32>} : memref<1x128xf32, #tpu.memory_space<vmem>>, vector<1x128xf32>,
      } else {
      }
      %mul3A = arith.constant 6400 : i32
      %mul3A_15 = arith.muli %arg0, %mul3A : i32
      %jit3A = arith.constant 4 : i32
      %eq3A_16 = arith.constant 0 : i32
      %eq3A_17 = arith.cmpi eq, %jit3A, %eq3A_16 : i32
      %jit3A_18 = arith.constant 1 : i32
      %select_n3A = arith.select %eq3A_17, %jit3A_18, %jit3A : i32
      %rem3A = arith.remsi %arg0, %select_n3A : i32
      %ne3A = arith.constant 0 : i32
      %ne3A_19 = arith.cmpi ne, %rem3A, %ne3A : i32
      %lt3A_20 = arith.constant 0 : i32
      %lt3A_21 = arith.cmpi slt, %rem3A, %lt3A_20 : i32
      %lt3A_22 = arith.constant 0 : i32
      %lt3A_23 = arith.cmpi slt, %select_n3A, %lt3A_22 : i32
      %ne3A_24 = arith.xori %lt3A_21, %lt3A_23 : i1
      %and3A = arith.andi %ne3A_24, %ne3A_19 : i1
      %add3A = arith.addi %rem3A, %select_n3A : i32
      %select_n3A_25 = arith.select %and3A, %add3A, %rem3A : i32
      %jit3A_26 = arith.constant 4 : i32
      %eq3A_27 = arith.constant 0 : i32
      %eq3A_28 = arith.cmpi eq, %jit3A_26, %eq3A_27 : i32
      %jit3A_29 = arith.constant 1 : i32
      %select_n3A_30 = arith.select %eq3A_28, %jit3A_29, %jit3A_26 : i32
      %rem3A_31 = arith.remsi %arg0, %select_n3A_30 : i32
      %ne3A_32 = arith.constant 0 : i32
      %ne3A_33 = arith.cmpi ne, %rem3A_31, %ne3A_32 : i32
      %lt3A_34 = arith.constant 0 : i32
      %lt3A_35 = arith.cmpi slt, %rem3A_31, %lt3A_34 : i32
      %lt3A_36 = arith.constant 0 : i32
      %lt3A_37 = arith.cmpi slt, %select_n3A_30, %lt3A_36 : i32
      %ne3A_38 = arith.xori %lt3A_35, %lt3A_37 : i1
      %and3A_39 = arith.andi %ne3A_38, %ne3A_33 : i1
      %add3A_40 = arith.addi %rem3A_31, %select_n3A_30 : i32
      %select_n3A_41 = arith.select %and3A_39, %add3A_40, %rem3A_31 : i32
      %dma_wait3A = tpu.memref_slice %arg18[%select_n3A_41] : memref<4x!tpu.dma_semaphore, #tpu.memory_space<semaphore_mem>> -> memref<1x!tpu.dma_semaphore, #tpu.memory_space<semaphore_mem>>
      %dma_wait3A_42 = tpu.memref_squeeze %dma_wait3A : memref<1x!tpu.dma_semaphore, #tpu.memory_space<semaphore_mem>> -> memref<!tpu.dma_semaphore, #tpu.memory_space<semaphore_mem>>
      %dma_wait3A_43 = arith.constant 0 : i32
      %dma_wait3A_44 = arith.constant 0 : i32
      %dma_wait3A_45 = tpu.memref_slice %arg17[%select_n3A_25, %dma_wait3A_43, %dma_wait3A_44] : memref<4x6400x128xf32, #tpu.memory_space<vmem>> -> memref<1x6400x128xf32, #tpu.memory_space<vmem>>
      %dma_wait3A_46 = tpu.memref_squeeze %dma_wait3A_45 : memref<1x6400x128xf32, #tpu.memory_space<vmem>> -> memref<6400x128xf32, #tpu.memory_space<vmem>>
      %dma_wait3A_47 = arith.constant 0 : i32
      %dma_wait3A_48 = tpu.memref_slice %arg2[%mul3A_15, %dma_wait3A_47] : memref<25600x128xf32, #tpu.memory_space<hbm>> -> memref<6400x128xf32, #tpu.memory_space<hbm>>
      tpu.wait_dma2 semaphore(%dma_wait3A_42 : memref<!tpu.dma_semaphore, #tpu.memory_space<semaphore_mem>>) src(%dma_wait3A_48 : memref<6400x128xf32, #tpu.memory_space<hbm>>) dst(%dma_wait3A_46 : memref<6400x128xf32, #tpu.memory_space<vmem>>)
      %get3A = arith.constant 0 : index
      %get3A_49 = arith.constant 0 : index
      %get3A_50 = vector.load %arg19[%get3A, %get3A_49] : memref<1x128xf32, #tpu.memory_space<vmem>>, vector<1x128xf32>
      %mul3A_51 = arith.constant 6400 : i32
      %mul3A_52 = arith.muli %arg0, %mul3A_51 : i32
      %get3A_53 = arith.constant 0 : index
      %get3A_54 = arith.index_cast %mul3A_52 : i32 to index
      %get3A_55 = vector.load %arg1[%get3A_53, %get3A_54] : memref<1x25600xf32, #tpu.memory_space<vmem>>, vector<1x6400xf32>
      %jit3A_56 = arith.constant 4 : i32
      %eq3A_57 = arith.constant 0 : i32
      %eq3A_58 = arith.cmpi eq, %jit3A_56, %eq3A_57 : i32
      %jit3A_59 = arith.constant 1 : i32
      %select_n3A_60 = arith.select %eq3A_58, %jit3A_59, %jit3A_56 : i32
      %rem3A_61 = arith.remsi %arg0, %select_n3A_60 : i32
      %ne3A_62 = arith.constant 0 : i32
      %ne3A_63 = arith.cmpi ne, %rem3A_61, %ne3A_62 : i32
      %lt3A_64 = arith.constant 0 : i32
      %lt3A_65 = arith.cmpi slt, %rem3A_61, %lt3A_64 : i32
      %lt3A_66 = arith.constant 0 : i32
      %lt3A_67 = arith.cmpi slt, %select_n3A_60, %lt3A_66 : i32
      %ne3A_68 = arith.xori %lt3A_65, %lt3A_67 : i1
      %and3A_69 = arith.andi %ne3A_68, %ne3A_63 : i1
      %add3A_70 = arith.addi %rem3A_61, %select_n3A_60 : i32
      %select_n3A_71 = arith.select %and3A_69, %add3A_70, %rem3A_61 : i32
      %get3A_72 = arith.index_cast %select_n3A_71 : i32 to index
      %get3A_73 = arith.constant 0 : index
      %get3A_74 = arith.constant 0 : index
      %get3A_75 = vector.load %arg17[%get3A_72, %get3A_73, %get3A_74] : memref<4x6400x128xf32, #tpu.memory_space<vmem>>, vector<1x6400x128xf32>
      %get3A_76 = vector.shape_cast %get3A_75 : vector<1x6400x128xf32> to vector<6400x128xf32>
      %dot_general3A = arith.constant dense<0.000000e+00> : vector<1x128xf32>
      %dot_general3A_77 = tpu.matmul %get3A_55, %get3A_76, %dot_general3A {dimension_numbers = #tpu.dot_dimension_numbers<[1], [0], [0], [1], [0, 0, 1, 1], [], []>, transpose_lhs_hint = false} : vector<1x6400xf32>, vector<6400x128xf32>, vector<1x128xf32> -> vector<1x128xf32>
      %add3A_78 = arith.addf %get3A_50, %dot_general3A_77 : vector<1x128xf32>
      %swap3A = arith.constant 0 : index
      %swap3A_79 = arith.constant 0 : index
      %swap3A_80 = vector.load %arg19[%swap3A, %swap3A_79] : memref<1x128xf32, #tpu.memory_space<vmem>>, vector<1x128xf32>
      tpu.vector_store %arg19[%swap3A, %swap3A_79], %add3A_78 {strides = array<i32>} : memref<1x128xf32, #tpu.memory_space<vmem>>, vector<1x128xf32>,
      %add3A_81 = arith.constant 3 : i32
      %add3A_82 = arith.addi %arg0, %add3A_81 : i32
      %lt3A_83 = arith.constant 4 : i32
      %lt3A_84 = arith.cmpi slt, %add3A_82, %lt3A_83 : i32
      %convert_element_type3A_85 = arith.extui %lt3A_84 : i1 to i32
      %cond3A_86 = arith.constant 0 : i32
      %cond3A_87 = arith.cmpi ne, %convert_element_type3A_85, %cond3A_86 : i32
      scf.if %cond3A_87 {
        %add3A_88 = arith.constant 3 : i32
        %add3A_89 = arith.addi %arg0, %add3A_88 : i32
        %mul3A_90 = arith.constant 6400 : i32
        %mul3A_91 = arith.muli %add3A_89, %mul3A_90 : i32
        %jit3A_92 = arith.constant 4 : i32
        %eq3A_93 = arith.constant 0 : i32
        %eq3A_94 = arith.cmpi eq, %jit3A_92, %eq3A_93 : i32
        %jit3A_95 = arith.constant 1 : i32
        %select_n3A_96 = arith.select %eq3A_94, %jit3A_95, %jit3A_92 : i32
        %rem3A_97 = arith.remsi %add3A_89, %select_n3A_96 : i32
        %ne3A_98 = arith.constant 0 : i32
        %ne3A_99 = arith.cmpi ne, %rem3A_97, %ne3A_98 : i32
        %lt3A_100 = arith.constant 0 : i32
        %lt3A_101 = arith.cmpi slt, %rem3A_97, %lt3A_100 : i32
        %lt3A_102 = arith.constant 0 : i32
        %lt3A_103 = arith.cmpi slt, %select_n3A_96, %lt3A_102 : i32
        %ne3A_104 = arith.xori %lt3A_101, %lt3A_103 : i1
        %and3A_105 = arith.andi %ne3A_104, %ne3A_99 : i1
        %add3A_106 = arith.addi %rem3A_97, %select_n3A_96 : i32
        %select_n3A_107 = arith.select %and3A_105, %add3A_106, %rem3A_97 : i32
        %jit3A_108 = arith.constant 4 : i32
        %eq3A_109 = arith.constant 0 : i32
        %eq3A_110 = arith.cmpi eq, %jit3A_108, %eq3A_109 : i32
        %jit3A_111 = arith.constant 1 : i32
        %select_n3A_112 = arith.select %eq3A_110, %jit3A_111, %jit3A_108 : i32
        %rem3A_113 = arith.remsi %add3A_89, %select_n3A_112 : i32
        %ne3A_114 = arith.constant 0 : i32
        %ne3A_115 = arith.cmpi ne, %rem3A_113, %ne3A_114 : i32
        %lt3A_116 = arith.constant 0 : i32
        %lt3A_117 = arith.cmpi slt, %rem3A_113, %lt3A_116 : i32
        %lt3A_118 = arith.constant 0 : i32
        %lt3A_119 = arith.cmpi slt, %select_n3A_112, %lt3A_118 : i32
        %ne3A_120 = arith.xori %lt3A_117, %lt3A_119 : i1
        %and3A_121 = arith.andi %ne3A_120, %ne3A_115 : i1
        %add3A_122 = arith.addi %rem3A_113, %select_n3A_112 : i32
        %select_n3A_123 = arith.select %and3A_121, %add3A_122, %rem3A_113 : i32
        %dma_start3A = tpu.memref_slice %arg18[%select_n3A_123] : memref<4x!tpu.dma_semaphore, #tpu.memory_space<semaphore_mem>> -> memref<1x!tpu.dma_semaphore, #tpu.memory_space<semaphore_mem>>
        %dma_start3A_124 = tpu.memref_squeeze %dma_start3A : memref<1x!tpu.dma_semaphore, #tpu.memory_space<semaphore_mem>> -> memref<!tpu.dma_semaphore, #tpu.memory_space<semaphore_mem>>
        %dma_start3A_125 = arith.constant 0 : i32
        %dma_start3A_126 = arith.constant 0 : i32
        %dma_start3A_127 = tpu.memref_slice %arg17[%select_n3A_107, %dma_start3A_125, %dma_start3A_126] : memref<4x6400x128xf32, #tpu.memory_space<vmem>> -> memref<1x6400x128xf32, #tpu.memory_space<vmem>>
        %dma_start3A_128 = tpu.memref_squeeze %dma_start3A_127 : memref<1x6400x128xf32, #tpu.memory_space<vmem>> -> memref<6400x128xf32, #tpu.memory_space<vmem>>
        %dma_start3A_129 = arith.constant 0 : i32
        %dma_start3A_130 = tpu.memref_slice %arg2[%mul3A_91, %dma_start3A_129] : memref<25600x128xf32, #tpu.memory_space<hbm>> -> memref<6400x128xf32, #tpu.memory_space<hbm>>
        tpu.enqueue_dma source(%dma_start3A_130 : memref<6400x128xf32, #tpu.memory_space<hbm>>) target(%dma_start3A_128 : memref<6400x128xf32, #tpu.memory_space<vmem>>) target_semaphore(%dma_start3A_124 : memref<!tpu.dma_semaphore, #tpu.memory_space<semaphore_mem>>)
      } else {
      }
    } else {
    }
    %ge3A = arith.constant 4 : i32
    %ge3A_6 = arith.cmpi sge, %arg0, %ge3A : i32
    %convert_element_type3A_7 = arith.extui %ge3A_6 : i1 to i32
    %cond3A_8 = arith.constant 0 : i32
    %cond3A_9 = arith.cmpi ne, %convert_element_type3A_7, %cond3A_8 : i32
    scf.if %cond3A_9 {
      %sub3A = arith.constant 4 : i32
      %sub3A_10 = arith.subi %arg0, %sub3A : i32
      %eq3A_11 = arith.constant 0 : i32
      %eq3A_12 = arith.cmpi eq, %sub3A_10, %eq3A_11 : i32
      %convert_element_type3A_13 = arith.extui %eq3A_12 : i1 to i32
      %cond3A_14 = arith.constant 0 : i32
      %cond3A_15 = arith.cmpi ne, %convert_element_type3A_13, %cond3A_14 : i32
      scf.if %cond3A_15 {
        %get3A_93 = arith.constant 0 : index
        %get3A_94 = arith.constant 0 : index
        %get3A_95 = vector.load %arg19[%get3A_93, %get3A_94] : memref<1x128xf32, #tpu.memory_space<vmem>>, vector<1x128xf32>
        %get3A_96 = arith.constant 0 : index
        %get3A_97 = arith.constant 0 : index
        %get3A_98 = vector.load %arg3[%get3A_96, %get3A_97] : memref<1x128xf32, #tpu.memory_space<vmem>>, vector<1x128xf32>
        %add3A_99 = arith.addf %get3A_95, %get3A_98 : vector<1x128xf32>
        %max3A_100 = arith.constant 0.000000e+00 : f32
        %max3A_101 = vector.broadcast %max3A_100 : f32 to vector<1x128xf32>
        %max3A_102 = arith.maximumf %add3A_99, %max3A_101 : vector<1x128xf32>
        %swap3A_103 = arith.constant 0 : index
        %swap3A_104 = arith.constant 0 : index
        %swap3A_105 = vector.load %arg19[%swap3A_103, %swap3A_104] : memref<1x128xf32, #tpu.memory_space<vmem>>, vector<1x128xf32>
        tpu.vector_store %arg19[%swap3A_103, %swap3A_104], %max3A_102 {strides = array<i32>} : memref<1x128xf32, #tpu.memory_space<vmem>>, vector<1x128xf32>,
        %swap3A_106 = arith.constant 0xFF800000 : f32
        %swap3A_107 = arith.constant 0 : index
        %swap3A_108 = arith.constant 0 : index
        %swap3A_109 = memref.load %arg20[%swap3A_107, %swap3A_108] : memref<1x1xf32, #tpu.memory_space<smem>>
        memref.store %swap3A_106, %arg20[%swap3A_107, %swap3A_108] : memref<1x1xf32, #tpu.memory_space<smem>>
        %swap3A_110 = arith.constant 0.000000e+00 : f32
        %swap3A_111 = arith.constant 0 : index
        %swap3A_112 = arith.constant 0 : index
        %swap3A_113 = memref.load %arg21[%swap3A_111, %swap3A_112] : memref<1x1xf32, #tpu.memory_space<smem>>
        memref.store %swap3A_110, %arg21[%swap3A_111, %swap3A_112] : memref<1x1xf32, #tpu.memory_space<smem>>
      } else {
      }
      %add3A = arith.constant 0 : i32
      %add3A_16 = arith.addi %add3A, %sub3A_10 : i32
      %get3A = arith.constant 0 : index
      %get3A_17 = arith.constant 0 : index
      %get3A_18 = vector.load %arg19[%get3A, %get3A_17] : memref<1x128xf32, #tpu.memory_space<vmem>>, vector<1x128xf32>
      %get3A_19 = arith.constant 0 : index
      %get3A_20 = arith.constant 0 : index
      %get3A_21 = vector.load %arg4[%get3A_19, %get3A_20] : memref<2048x128xf32, #tpu.memory_space<vmem>>, vector<2048x128xf32>
      %dot_general3A = arith.constant dense<0.000000e+00> : vector<1x2048xf32>
      %dot_general3A_22 = tpu.matmul %get3A_18, %get3A_21, %dot_general3A {dimension_numbers = #tpu.dot_dimension_numbers<[1], [1], [0], [0], [0, 0, 1, 0], [], []>, transpose_lhs_hint = false} : vector<1x128xf32>, vector<2048x128xf32>, vector<1x2048xf32> -> vector<1x2048xf32>
      %get3A_23 = arith.constant 0 : index
      %get3A_24 = vector.load %arg10[%get3A_23] : memref<2048xf32, #tpu.memory_space<vmem>>, vector<2048xf32>
      %reshape3A = vector.shape_cast %get3A_24 : vector<2048xf32> to vector<1x2048xf32>
      %add3A_25 = arith.addf %dot_general3A_22, %reshape3A : vector<1x2048xf32>
      %get3A_26 = arith.constant 0 : index
      %get3A_27 = arith.constant 0 : index
      %get3A_28 = memref.load %arg20[%get3A_26, %get3A_27] : memref<1x1xf32, #tpu.memory_space<smem>>
      %reduce_max3A = vector.shape_cast %add3A_25 : vector<1x2048xf32> to vector<1x1x2048xf32>
      %reduce_max3A_29 = arith.constant dense<0xFF800000> : vector<1xf32>
      %reduce_max3A_30 = vector.multi_reduction <maximumf>, %reduce_max3A, %reduce_max3A_29 [1, 2] : vector<1x1x2048xf32> to vector<1xf32>
      %reduce_max3A_31 = vector.shape_cast %reduce_max3A_30 : vector<1xf32> to vector<1x1x1xf32>
      %reduce_max3A_32 = vector.extract %reduce_max3A_31[0, 0, 0] : f32 from vector<1x1x1xf32>
      %max3A = arith.maximumf %get3A_28, %reduce_max3A_32 : f32
      %sub3A_33 = vector.broadcast %max3A : f32 to vector<1x2048xf32>
      %sub3A_34 = arith.subf %add3A_25, %sub3A_33 : vector<1x2048xf32>
      %exp3A = math.exp %sub3A_34 : vector<1x2048xf32>
      %get3A_35 = arith.constant 0 : index
      %get3A_36 = arith.constant 0 : index
      %get3A_37 = memref.load %arg21[%get3A_35, %get3A_36] : memref<1x1xf32, #tpu.memory_space<smem>>
      %sub3A_38 = arith.subf %get3A_28, %max3A : f32
      %exp3A_39 = math.exp %sub3A_38 : f32
      %mul3A = arith.mulf %get3A_37, %exp3A_39 : f32
      %reduce_sum3A = vector.shape_cast %exp3A : vector<1x2048xf32> to vector<1x1x2048xf32>
      %reduce_sum3A_40 = arith.constant dense<0.000000e+00> : vector<1xf32>
      %reduce_sum3A_41 = vector.multi_reduction <add>, %reduce_sum3A, %reduce_sum3A_40 [1, 2] : vector<1x1x2048xf32> to vector<1xf32>
      %reduce_sum3A_42 = vector.shape_cast %reduce_sum3A_41 : vector<1xf32> to vector<1x1x1xf32>
      %reduce_sum3A_43 = vector.extract %reduce_sum3A_42[0, 0, 0] : f32 from vector<1x1x1xf32>
      %add3A_44 = arith.addf %mul3A, %reduce_sum3A_43 : f32
      %swap3A = arith.constant 0 : index
      %swap3A_45 = arith.constant 0 : index
      %swap3A_46 = memref.load %arg21[%swap3A, %swap3A_45] : memref<1x1xf32, #tpu.memory_space<smem>>
      memref.store %add3A_44, %arg21[%swap3A, %swap3A_45] : memref<1x1xf32, #tpu.memory_space<smem>>
      %swap3A_47 = arith.constant 0 : index
      %swap3A_48 = arith.constant 0 : index
      %swap3A_49 = memref.load %arg20[%swap3A_47, %swap3A_48] : memref<1x1xf32, #tpu.memory_space<smem>>
      memref.store %max3A, %arg20[%swap3A_47, %swap3A_48] : memref<1x1xf32, #tpu.memory_space<smem>>
      %swap3A_50 = arith.index_cast %add3A_16 : i32 to index
      %swap3A_51 = arith.constant 0 : index
      %swap3A_52 = memref.load %arg22[%swap3A_50, %swap3A_51] : memref<49x1xf32, #tpu.memory_space<smem>>
      memref.store %max3A, %arg22[%swap3A_50, %swap3A_51] : memref<49x1xf32, #tpu.memory_space<smem>>
      %mul3A_53 = arith.constant 2048 : i32
      %mul3A_54 = arith.muli %add3A_16, %mul3A_53 : i32
      %swap3A_55 = arith.constant 0 : index
      %swap3A_56 = arith.index_cast %mul3A_54 : i32 to index
      %swap3A_57 = vector.load %arg16[%swap3A_55, %swap3A_56] : memref<1x100000xf32, #tpu.memory_space<vmem>>, vector<1x2048xf32>
      tpu.vector_store %arg16[%swap3A_55, %swap3A_56], %exp3A {strides = array<i32>} : memref<1x100000xf32, #tpu.memory_space<vmem>>, vector<1x2048xf32>,
      %lt3A_58 = arith.constant 8 : i32
      %lt3A_59 = arith.cmpi slt, %sub3A_10, %lt3A_58 : i32
      %convert_element_type3A_60 = arith.extui %lt3A_59 : i1 to i32
      %cond3A_61 = arith.constant 0 : i32
      %cond3A_62 = arith.cmpi ne, %convert_element_type3A_60, %cond3A_61 : i32
      scf.if %cond3A_62 {
        %add3A_93 = arith.constant 9 : i32
        %add3A_94 = arith.addi %add3A_93, %sub3A_10 : i32
        %get3A_95 = arith.constant 0 : index
        %get3A_96 = arith.constant 0 : index
        %get3A_97 = vector.load %arg19[%get3A_95, %get3A_96] : memref<1x128xf32, #tpu.memory_space<vmem>>, vector<1x128xf32>
        %get3A_98 = arith.constant 0 : index
        %get3A_99 = arith.constant 0 : index
        %get3A_100 = vector.load %arg5[%get3A_98, %get3A_99] : memref<2048x128xf32, #tpu.memory_space<vmem>>, vector<2048x128xf32>
        %dot_general3A_101 = arith.constant dense<0.000000e+00> : vector<1x2048xf32>
        %dot_general3A_102 = tpu.matmul %get3A_97, %get3A_100, %dot_general3A_101 {dimension_numbers = #tpu.dot_dimension_numbers<[1], [1], [0], [0], [0, 0, 1, 0], [], []>, transpose_lhs_hint = false} : vector<1x128xf32>, vector<2048x128xf32>, vector<1x2048xf32> -> vector<1x2048xf32>
        %get3A_103 = arith.constant 0 : index
        %get3A_104 = vector.load %arg11[%get3A_103] : memref<2048xf32, #tpu.memory_space<vmem>>, vector<2048xf32>
        %reshape3A_105 = vector.shape_cast %get3A_104 : vector<2048xf32> to vector<1x2048xf32>
        %add3A_106 = arith.addf %dot_general3A_102, %reshape3A_105 : vector<1x2048xf32>
        %get3A_107 = arith.constant 0 : index
        %get3A_108 = arith.constant 0 : index
        %get3A_109 = memref.load %arg20[%get3A_107, %get3A_108] : memref<1x1xf32, #tpu.memory_space<smem>>
        %reduce_max3A_110 = vector.shape_cast %add3A_106 : vector<1x2048xf32> to vector<1x1x2048xf32>
        %reduce_max3A_111 = arith.constant dense<0xFF800000> : vector<1xf32>
        %reduce_max3A_112 = vector.multi_reduction <maximumf>, %reduce_max3A_110, %reduce_max3A_111 [1, 2] : vector<1x1x2048xf32> to vector<1xf32>
        %reduce_max3A_113 = vector.shape_cast %reduce_max3A_112 : vector<1xf32> to vector<1x1x1xf32>
        %reduce_max3A_114 = vector.extract %reduce_max3A_113[0, 0, 0] : f32 from vector<1x1x1xf32>
        %max3A_115 = arith.maximumf %get3A_109, %reduce_max3A_114 : f32
        %sub3A_116 = vector.broadcast %max3A_115 : f32 to vector<1x2048xf32>
        %sub3A_117 = arith.subf %add3A_106, %sub3A_116 : vector<1x2048xf32>
        %exp3A_118 = math.exp %sub3A_117 : vector<1x2048xf32>
        %get3A_119 = arith.constant 0 : index
        %get3A_120 = arith.constant 0 : index
        %get3A_121 = memref.load %arg21[%get3A_119, %get3A_120] : memref<1x1xf32, #tpu.memory_space<smem>>
        %sub3A_122 = arith.subf %get3A_109, %max3A_115 : f32
        %exp3A_123 = math.exp %sub3A_122 : f32
        %mul3A_124 = arith.mulf %get3A_121, %exp3A_123 : f32
        %reduce_sum3A_125 = vector.shape_cast %exp3A_118 : vector<1x2048xf32> to vector<1x1x2048xf32>
        %reduce_sum3A_126 = arith.constant dense<0.000000e+00> : vector<1xf32>
        %reduce_sum3A_127 = vector.multi_reduction <add>, %reduce_sum3A_125, %reduce_sum3A_126 [1, 2] : vector<1x1x2048xf32> to vector<1xf32>
        %reduce_sum3A_128 = vector.shape_cast %reduce_sum3A_127 : vector<1xf32> to vector<1x1x1xf32>
        %reduce_sum3A_129 = vector.extract %reduce_sum3A_128[0, 0, 0] : f32 from vector<1x1x1xf32>
        %add3A_130 = arith.addf %mul3A_124, %reduce_sum3A_129 : f32
        %swap3A_131 = arith.constant 0 : index
        %swap3A_132 = arith.constant 0 : index
        %swap3A_133 = memref.load %arg21[%swap3A_131, %swap3A_132] : memref<1x1xf32, #tpu.memory_space<smem>>
        memref.store %add3A_130, %arg21[%swap3A_131, %swap3A_132] : memref<1x1xf32, #tpu.memory_space<smem>>
        %swap3A_134 = arith.constant 0 : index
        %swap3A_135 = arith.constant 0 : index
        %swap3A_136 = memref.load %arg20[%swap3A_134, %swap3A_135] : memref<1x1xf32, #tpu.memory_space<smem>>
        memref.store %max3A_115, %arg20[%swap3A_134, %swap3A_135] : memref<1x1xf32, #tpu.memory_space<smem>>
        %swap3A_137 = arith.index_cast %add3A_94 : i32 to index
        %swap3A_138 = arith.constant 0 : index
        %swap3A_139 = memref.load %arg22[%swap3A_137, %swap3A_138] : memref<49x1xf32, #tpu.memory_space<smem>>
        memref.store %max3A_115, %arg22[%swap3A_137, %swap3A_138] : memref<49x1xf32, #tpu.memory_space<smem>>
        %mul3A_140 = arith.constant 2048 : i32
        %mul3A_141 = arith.muli %add3A_94, %mul3A_140 : i32
        %swap3A_142 = arith.constant 0 : index
        %swap3A_143 = arith.index_cast %mul3A_141 : i32 to index
        %swap3A_144 = vector.load %arg16[%swap3A_142, %swap3A_143] : memref<1x100000xf32, #tpu.memory_space<vmem>>, vector<1x2048xf32>
        tpu.vector_store %arg16[%swap3A_142, %swap3A_143], %exp3A_118 {strides = array<i32>} : memref<1x100000xf32, #tpu.memory_space<vmem>>, vector<1x2048xf32>,
      } else {
      }
      %lt3A_63 = arith.constant 8 : i32
      %lt3A_64 = arith.cmpi slt, %sub3A_10, %lt3A_63 : i32
      %convert_element_type3A_65 = arith.extui %lt3A_64 : i1 to i32
      %cond3A_66 = arith.constant 0 : i32
      %cond3A_67 = arith.cmpi ne, %convert_element_type3A_65, %cond3A_66 : i32
      scf.if %cond3A_67 {
        %add3A_93 = arith.constant 17 : i32
        %add3A_94 = arith.addi %add3A_93, %sub3A_10 : i32
        %get3A_95 = arith.constant 0 : index
        %get3A_96 = arith.constant 0 : index
        %get3A_97 = vector.load %arg19[%get3A_95, %get3A_96] : memref<1x128xf32, #tpu.memory_space<vmem>>, vector<1x128xf32>
        %get3A_98 = arith.constant 0 : index
        %get3A_99 = arith.constant 0 : index
        %get3A_100 = vector.load %arg6[%get3A_98, %get3A_99] : memref<2048x128xf32, #tpu.memory_space<vmem>>, vector<2048x128xf32>
        %dot_general3A_101 = arith.constant dense<0.000000e+00> : vector<1x2048xf32>
        %dot_general3A_102 = tpu.matmul %get3A_97, %get3A_100, %dot_general3A_101 {dimension_numbers = #tpu.dot_dimension_numbers<[1], [1], [0], [0], [0, 0, 1, 0], [], []>, transpose_lhs_hint = false} : vector<1x128xf32>, vector<2048x128xf32>, vector<1x2048xf32> -> vector<1x2048xf32>
        %get3A_103 = arith.constant 0 : index
        %get3A_104 = vector.load %arg12[%get3A_103] : memref<2048xf32, #tpu.memory_space<vmem>>, vector<2048xf32>
        %reshape3A_105 = vector.shape_cast %get3A_104 : vector<2048xf32> to vector<1x2048xf32>
        %add3A_106 = arith.addf %dot_general3A_102, %reshape3A_105 : vector<1x2048xf32>
        %get3A_107 = arith.constant 0 : index
        %get3A_108 = arith.constant 0 : index
        %get3A_109 = memref.load %arg20[%get3A_107, %get3A_108] : memref<1x1xf32, #tpu.memory_space<smem>>
        %reduce_max3A_110 = vector.shape_cast %add3A_106 : vector<1x2048xf32> to vector<1x1x2048xf32>
        %reduce_max3A_111 = arith.constant dense<0xFF800000> : vector<1xf32>
        %reduce_max3A_112 = vector.multi_reduction <maximumf>, %reduce_max3A_110, %reduce_max3A_111 [1, 2] : vector<1x1x2048xf32> to vector<1xf32>
        %reduce_max3A_113 = vector.shape_cast %reduce_max3A_112 : vector<1xf32> to vector<1x1x1xf32>
        %reduce_max3A_114 = vector.extract %reduce_max3A_113[0, 0, 0] : f32 from vector<1x1x1xf32>
        %max3A_115 = arith.maximumf %get3A_109, %reduce_max3A_114 : f32
        %sub3A_116 = vector.broadcast %max3A_115 : f32 to vector<1x2048xf32>
        %sub3A_117 = arith.subf %add3A_106, %sub3A_116 : vector<1x2048xf32>
        %exp3A_118 = math.exp %sub3A_117 : vector<1x2048xf32>
        %get3A_119 = arith.constant 0 : index
        %get3A_120 = arith.constant 0 : index
        %get3A_121 = memref.load %arg21[%get3A_119, %get3A_120] : memref<1x1xf32, #tpu.memory_space<smem>>
        %sub3A_122 = arith.subf %get3A_109, %max3A_115 : f32
        %exp3A_123 = math.exp %sub3A_122 : f32
        %mul3A_124 = arith.mulf %get3A_121, %exp3A_123 : f32
        %reduce_sum3A_125 = vector.shape_cast %exp3A_118 : vector<1x2048xf32> to vector<1x1x2048xf32>
        %reduce_sum3A_126 = arith.constant dense<0.000000e+00> : vector<1xf32>
        %reduce_sum3A_127 = vector.multi_reduction <add>, %reduce_sum3A_125, %reduce_sum3A_126 [1, 2] : vector<1x1x2048xf32> to vector<1xf32>
        %reduce_sum3A_128 = vector.shape_cast %reduce_sum3A_127 : vector<1xf32> to vector<1x1x1xf32>
        %reduce_sum3A_129 = vector.extract %reduce_sum3A_128[0, 0, 0] : f32 from vector<1x1x1xf32>
        %add3A_130 = arith.addf %mul3A_124, %reduce_sum3A_129 : f32
        %swap3A_131 = arith.constant 0 : index
        %swap3A_132 = arith.constant 0 : index
        %swap3A_133 = memref.load %arg21[%swap3A_131, %swap3A_132] : memref<1x1xf32, #tpu.memory_space<smem>>
        memref.store %add3A_130, %arg21[%swap3A_131, %swap3A_132] : memref<1x1xf32, #tpu.memory_space<smem>>
        %swap3A_134 = arith.constant 0 : index
        %swap3A_135 = arith.constant 0 : index
        %swap3A_136 = memref.load %arg20[%swap3A_134, %swap3A_135] : memref<1x1xf32, #tpu.memory_space<smem>>
        memref.store %max3A_115, %arg20[%swap3A_134, %swap3A_135] : memref<1x1xf32, #tpu.memory_space<smem>>
        %swap3A_137 = arith.index_cast %add3A_94 : i32 to index
        %swap3A_138 = arith.constant 0 : index
        %swap3A_139 = memref.load %arg22[%swap3A_137, %swap3A_138] : memref<49x1xf32, #tpu.memory_space<smem>>
        memref.store %max3A_115, %arg22[%swap3A_137, %swap3A_138] : memref<49x1xf32, #tpu.memory_space<smem>>
        %mul3A_140 = arith.constant 2048 : i32
        %mul3A_141 = arith.muli %add3A_94, %mul3A_140 : i32
        %swap3A_142 = arith.constant 0 : index
        %swap3A_143 = arith.index_cast %mul3A_141 : i32 to index
        %swap3A_144 = vector.load %arg16[%swap3A_142, %swap3A_143] : memref<1x100000xf32, #tpu.memory_space<vmem>>, vector<1x2048xf32>
        tpu.vector_store %arg16[%swap3A_142, %swap3A_143], %exp3A_118 {strides = array<i32>} : memref<1x100000xf32, #tpu.memory_space<vmem>>, vector<1x2048xf32>,
      } else {
      }
      %lt3A_68 = arith.constant 8 : i32
      %lt3A_69 = arith.cmpi slt, %sub3A_10, %lt3A_68 : i32
      %convert_element_type3A_70 = arith.extui %lt3A_69 : i1 to i32
      %cond3A_71 = arith.constant 0 : i32
      %cond3A_72 = arith.cmpi ne, %convert_element_type3A_70, %cond3A_71 : i32
      scf.if %cond3A_72 {
        %add3A_93 = arith.constant 25 : i32
        %add3A_94 = arith.addi %add3A_93, %sub3A_10 : i32
        %get3A_95 = arith.constant 0 : index
        %get3A_96 = arith.constant 0 : index
        %get3A_97 = vector.load %arg19[%get3A_95, %get3A_96] : memref<1x128xf32, #tpu.memory_space<vmem>>, vector<1x128xf32>
        %get3A_98 = arith.constant 0 : index
        %get3A_99 = arith.constant 0 : index
        %get3A_100 = vector.load %arg7[%get3A_98, %get3A_99] : memref<2048x128xf32, #tpu.memory_space<vmem>>, vector<2048x128xf32>
        %dot_general3A_101 = arith.constant dense<0.000000e+00> : vector<1x2048xf32>
        %dot_general3A_102 = tpu.matmul %get3A_97, %get3A_100, %dot_general3A_101 {dimension_numbers = #tpu.dot_dimension_numbers<[1], [1], [0], [0], [0, 0, 1, 0], [], []>, transpose_lhs_hint = false} : vector<1x128xf32>, vector<2048x128xf32>, vector<1x2048xf32> -> vector<1x2048xf32>
        %get3A_103 = arith.constant 0 : index
        %get3A_104 = vector.load %arg13[%get3A_103] : memref<2048xf32, #tpu.memory_space<vmem>>, vector<2048xf32>
        %reshape3A_105 = vector.shape_cast %get3A_104 : vector<2048xf32> to vector<1x2048xf32>
        %add3A_106 = arith.addf %dot_general3A_102, %reshape3A_105 : vector<1x2048xf32>
        %get3A_107 = arith.constant 0 : index
        %get3A_108 = arith.constant 0 : index
        %get3A_109 = memref.load %arg20[%get3A_107, %get3A_108] : memref<1x1xf32, #tpu.memory_space<smem>>
        %reduce_max3A_110 = vector.shape_cast %add3A_106 : vector<1x2048xf32> to vector<1x1x2048xf32>
        %reduce_max3A_111 = arith.constant dense<0xFF800000> : vector<1xf32>
        %reduce_max3A_112 = vector.multi_reduction <maximumf>, %reduce_max3A_110, %reduce_max3A_111 [1, 2] : vector<1x1x2048xf32> to vector<1xf32>
        %reduce_max3A_113 = vector.shape_cast %reduce_max3A_112 : vector<1xf32> to vector<1x1x1xf32>
        %reduce_max3A_114 = vector.extract %reduce_max3A_113[0, 0, 0] : f32 from vector<1x1x1xf32>
        %max3A_115 = arith.maximumf %get3A_109, %reduce_max3A_114 : f32
        %sub3A_116 = vector.broadcast %max3A_115 : f32 to vector<1x2048xf32>
        %sub3A_117 = arith.subf %add3A_106, %sub3A_116 : vector<1x2048xf32>
        %exp3A_118 = math.exp %sub3A_117 : vector<1x2048xf32>
        %get3A_119 = arith.constant 0 : index
        %get3A_120 = arith.constant 0 : index
        %get3A_121 = memref.load %arg21[%get3A_119, %get3A_120] : memref<1x1xf32, #tpu.memory_space<smem>>
        %sub3A_122 = arith.subf %get3A_109, %max3A_115 : f32
        %exp3A_123 = math.exp %sub3A_122 : f32
        %mul3A_124 = arith.mulf %get3A_121, %exp3A_123 : f32
        %reduce_sum3A_125 = vector.shape_cast %exp3A_118 : vector<1x2048xf32> to vector<1x1x2048xf32>
        %reduce_sum3A_126 = arith.constant dense<0.000000e+00> : vector<1xf32>
        %reduce_sum3A_127 = vector.multi_reduction <add>, %reduce_sum3A_125, %reduce_sum3A_126 [1, 2] : vector<1x1x2048xf32> to vector<1xf32>
        %reduce_sum3A_128 = vector.shape_cast %reduce_sum3A_127 : vector<1xf32> to vector<1x1x1xf32>
        %reduce_sum3A_129 = vector.extract %reduce_sum3A_128[0, 0, 0] : f32 from vector<1x1x1xf32>
        %add3A_130 = arith.addf %mul3A_124, %reduce_sum3A_129 : f32
        %swap3A_131 = arith.constant 0 : index
        %swap3A_132 = arith.constant 0 : index
        %swap3A_133 = memref.load %arg21[%swap3A_131, %swap3A_132] : memref<1x1xf32, #tpu.memory_space<smem>>
        memref.store %add3A_130, %arg21[%swap3A_131, %swap3A_132] : memref<1x1xf32, #tpu.memory_space<smem>>
        %swap3A_134 = arith.constant 0 : index
        %swap3A_135 = arith.constant 0 : index
        %swap3A_136 = memref.load %arg20[%swap3A_134, %swap3A_135] : memref<1x1xf32, #tpu.memory_space<smem>>
        memref.store %max3A_115, %arg20[%swap3A_134, %swap3A_135] : memref<1x1xf32, #tpu.memory_space<smem>>
        %swap3A_137 = arith.index_cast %add3A_94 : i32 to index
        %swap3A_138 = arith.constant 0 : index
        %swap3A_139 = memref.load %arg22[%swap3A_137, %swap3A_138] : memref<49x1xf32, #tpu.memory_space<smem>>
        memref.store %max3A_115, %arg22[%swap3A_137, %swap3A_138] : memref<49x1xf32, #tpu.memory_space<smem>>
        %mul3A_140 = arith.constant 2048 : i32
        %mul3A_141 = arith.muli %add3A_94, %mul3A_140 : i32
        %swap3A_142 = arith.constant 0 : index
        %swap3A_143 = arith.index_cast %mul3A_141 : i32 to index
        %swap3A_144 = vector.load %arg16[%swap3A_142, %swap3A_143] : memref<1x100000xf32, #tpu.memory_space<vmem>>, vector<1x2048xf32>
        tpu.vector_store %arg16[%swap3A_142, %swap3A_143], %exp3A_118 {strides = array<i32>} : memref<1x100000xf32, #tpu.memory_space<vmem>>, vector<1x2048xf32>,
      } else {
      }
      %lt3A_73 = arith.constant 8 : i32
      %lt3A_74 = arith.cmpi slt, %sub3A_10, %lt3A_73 : i32
      %convert_element_type3A_75 = arith.extui %lt3A_74 : i1 to i32
      %cond3A_76 = arith.constant 0 : i32
      %cond3A_77 = arith.cmpi ne, %convert_element_type3A_75, %cond3A_76 : i32
      scf.if %cond3A_77 {
        %add3A_93 = arith.constant 33 : i32
        %add3A_94 = arith.addi %add3A_93, %sub3A_10 : i32
        %get3A_95 = arith.constant 0 : index
        %get3A_96 = arith.constant 0 : index
        %get3A_97 = vector.load %arg19[%get3A_95, %get3A_96] : memref<1x128xf32, #tpu.memory_space<vmem>>, vector<1x128xf32>
        %get3A_98 = arith.constant 0 : index
        %get3A_99 = arith.constant 0 : index
        %get3A_100 = vector.load %arg8[%get3A_98, %get3A_99] : memref<2048x128xf32, #tpu.memory_space<vmem>>, vector<2048x128xf32>
        %dot_general3A_101 = arith.constant dense<0.000000e+00> : vector<1x2048xf32>
        %dot_general3A_102 = tpu.matmul %get3A_97, %get3A_100, %dot_general3A_101 {dimension_numbers = #tpu.dot_dimension_numbers<[1], [1], [0], [0], [0, 0, 1, 0], [], []>, transpose_lhs_hint = false} : vector<1x128xf32>, vector<2048x128xf32>, vector<1x2048xf32> -> vector<1x2048xf32>
        %get3A_103 = arith.constant 0 : index
        %get3A_104 = vector.load %arg14[%get3A_103] : memref<2048xf32, #tpu.memory_space<vmem>>, vector<2048xf32>
        %reshape3A_105 = vector.shape_cast %get3A_104 : vector<2048xf32> to vector<1x2048xf32>
        %add3A_106 = arith.addf %dot_general3A_102, %reshape3A_105 : vector<1x2048xf32>
        %get3A_107 = arith.constant 0 : index
        %get3A_108 = arith.constant 0 : index
        %get3A_109 = memref.load %arg20[%get3A_107, %get3A_108] : memref<1x1xf32, #tpu.memory_space<smem>>
        %reduce_max3A_110 = vector.shape_cast %add3A_106 : vector<1x2048xf32> to vector<1x1x2048xf32>
        %reduce_max3A_111 = arith.constant dense<0xFF800000> : vector<1xf32>
        %reduce_max3A_112 = vector.multi_reduction <maximumf>, %reduce_max3A_110, %reduce_max3A_111 [1, 2] : vector<1x1x2048xf32> to vector<1xf32>
        %reduce_max3A_113 = vector.shape_cast %reduce_max3A_112 : vector<1xf32> to vector<1x1x1xf32>
        %reduce_max3A_114 = vector.extract %reduce_max3A_113[0, 0, 0] : f32 from vector<1x1x1xf32>
        %max3A_115 = arith.maximumf %get3A_109, %reduce_max3A_114 : f32
        %sub3A_116 = vector.broadcast %max3A_115 : f32 to vector<1x2048xf32>
        %sub3A_117 = arith.subf %add3A_106, %sub3A_116 : vector<1x2048xf32>
        %exp3A_118 = math.exp %sub3A_117 : vector<1x2048xf32>
        %get3A_119 = arith.constant 0 : index
        %get3A_120 = arith.constant 0 : index
        %get3A_121 = memref.load %arg21[%get3A_119, %get3A_120] : memref<1x1xf32, #tpu.memory_space<smem>>
        %sub3A_122 = arith.subf %get3A_109, %max3A_115 : f32
        %exp3A_123 = math.exp %sub3A_122 : f32
        %mul3A_124 = arith.mulf %get3A_121, %exp3A_123 : f32
        %reduce_sum3A_125 = vector.shape_cast %exp3A_118 : vector<1x2048xf32> to vector<1x1x2048xf32>
        %reduce_sum3A_126 = arith.constant dense<0.000000e+00> : vector<1xf32>
        %reduce_sum3A_127 = vector.multi_reduction <add>, %reduce_sum3A_125, %reduce_sum3A_126 [1, 2] : vector<1x1x2048xf32> to vector<1xf32>
        %reduce_sum3A_128 = vector.shape_cast %reduce_sum3A_127 : vector<1xf32> to vector<1x1x1xf32>
        %reduce_sum3A_129 = vector.extract %reduce_sum3A_128[0, 0, 0] : f32 from vector<1x1x1xf32>
        %add3A_130 = arith.addf %mul3A_124, %reduce_sum3A_129 : f32
        %swap3A_131 = arith.constant 0 : index
        %swap3A_132 = arith.constant 0 : index
        %swap3A_133 = memref.load %arg21[%swap3A_131, %swap3A_132] : memref<1x1xf32, #tpu.memory_space<smem>>
        memref.store %add3A_130, %arg21[%swap3A_131, %swap3A_132] : memref<1x1xf32, #tpu.memory_space<smem>>
        %swap3A_134 = arith.constant 0 : index
        %swap3A_135 = arith.constant 0 : index
        %swap3A_136 = memref.load %arg20[%swap3A_134, %swap3A_135] : memref<1x1xf32, #tpu.memory_space<smem>>
        memref.store %max3A_115, %arg20[%swap3A_134, %swap3A_135] : memref<1x1xf32, #tpu.memory_space<smem>>
        %swap3A_137 = arith.index_cast %add3A_94 : i32 to index
        %swap3A_138 = arith.constant 0 : index
        %swap3A_139 = memref.load %arg22[%swap3A_137, %swap3A_138] : memref<49x1xf32, #tpu.memory_space<smem>>
        memref.store %max3A_115, %arg22[%swap3A_137, %swap3A_138] : memref<49x1xf32, #tpu.memory_space<smem>>
        %mul3A_140 = arith.constant 2048 : i32
        %mul3A_141 = arith.muli %add3A_94, %mul3A_140 : i32
        %swap3A_142 = arith.constant 0 : index
        %swap3A_143 = arith.index_cast %mul3A_141 : i32 to index
        %swap3A_144 = vector.load %arg16[%swap3A_142, %swap3A_143] : memref<1x100000xf32, #tpu.memory_space<vmem>>, vector<1x2048xf32>
        tpu.vector_store %arg16[%swap3A_142, %swap3A_143], %exp3A_118 {strides = array<i32>} : memref<1x100000xf32, #tpu.memory_space<vmem>>, vector<1x2048xf32>,
      } else {
      }
      %lt3A_78 = arith.constant 7 : i32
      %lt3A_79 = arith.cmpi slt, %sub3A_10, %lt3A_78 : i32
      %convert_element_type3A_80 = arith.extui %lt3A_79 : i1 to i32
      %cond3A_81 = arith.constant 0 : i32
      %cond3A_82 = arith.cmpi ne, %convert_element_type3A_80, %cond3A_81 : i32
      scf.if %cond3A_82 {
        %add3A_93 = arith.constant 41 : i32
        %add3A_94 = arith.addi %add3A_93, %sub3A_10 : i32
        %get3A_95 = arith.constant 0 : index
        %get3A_96 = arith.constant 0 : index
        %get3A_97 = vector.load %arg19[%get3A_95, %get3A_96] : memref<1x128xf32, #tpu.memory_space<vmem>>, vector<1x128xf32>
        %get3A_98 = arith.constant 0 : index
        %get3A_99 = arith.constant 0 : index
        %get3A_100 = vector.load %arg9[%get3A_98, %get3A_99] : memref<2048x128xf32, #tpu.memory_space<vmem>>, vector<2048x128xf32>
        %dot_general3A_101 = arith.constant dense<0.000000e+00> : vector<1x2048xf32>
        %dot_general3A_102 = tpu.matmul %get3A_97, %get3A_100, %dot_general3A_101 {dimension_numbers = #tpu.dot_dimension_numbers<[1], [1], [0], [0], [0, 0, 1, 0], [], []>, transpose_lhs_hint = false} : vector<1x128xf32>, vector<2048x128xf32>, vector<1x2048xf32> -> vector<1x2048xf32>
        %get3A_103 = arith.constant 0 : index
        %get3A_104 = vector.load %arg15[%get3A_103] : memref<2048xf32, #tpu.memory_space<vmem>>, vector<2048xf32>
        %reshape3A_105 = vector.shape_cast %get3A_104 : vector<2048xf32> to vector<1x2048xf32>
        %add3A_106 = arith.addf %dot_general3A_102, %reshape3A_105 : vector<1x2048xf32>
        %get3A_107 = arith.constant 0 : index
        %get3A_108 = arith.constant 0 : index
        %get3A_109 = memref.load %arg20[%get3A_107, %get3A_108] : memref<1x1xf32, #tpu.memory_space<smem>>
        %reduce_max3A_110 = vector.shape_cast %add3A_106 : vector<1x2048xf32> to vector<1x1x2048xf32>
        %reduce_max3A_111 = arith.constant dense<0xFF800000> : vector<1xf32>
        %reduce_max3A_112 = vector.multi_reduction <maximumf>, %reduce_max3A_110, %reduce_max3A_111 [1, 2] : vector<1x1x2048xf32> to vector<1xf32>
        %reduce_max3A_113 = vector.shape_cast %reduce_max3A_112 : vector<1xf32> to vector<1x1x1xf32>
        %reduce_max3A_114 = vector.extract %reduce_max3A_113[0, 0, 0] : f32 from vector<1x1x1xf32>
        %max3A_115 = arith.maximumf %get3A_109, %reduce_max3A_114 : f32
        %sub3A_116 = vector.broadcast %max3A_115 : f32 to vector<1x2048xf32>
        %sub3A_117 = arith.subf %add3A_106, %sub3A_116 : vector<1x2048xf32>
        %exp3A_118 = math.exp %sub3A_117 : vector<1x2048xf32>
        %get3A_119 = arith.constant 0 : index
        %get3A_120 = arith.constant 0 : index
        %get3A_121 = memref.load %arg21[%get3A_119, %get3A_120] : memref<1x1xf32, #tpu.memory_space<smem>>
        %sub3A_122 = arith.subf %get3A_109, %max3A_115 : f32
        %exp3A_123 = math.exp %sub3A_122 : f32
        %mul3A_124 = arith.mulf %get3A_121, %exp3A_123 : f32
        %reduce_sum3A_125 = vector.shape_cast %exp3A_118 : vector<1x2048xf32> to vector<1x1x2048xf32>
        %reduce_sum3A_126 = arith.constant dense<0.000000e+00> : vector<1xf32>
        %reduce_sum3A_127 = vector.multi_reduction <add>, %reduce_sum3A_125, %reduce_sum3A_126 [1, 2] : vector<1x1x2048xf32> to vector<1xf32>
        %reduce_sum3A_128 = vector.shape_cast %reduce_sum3A_127 : vector<1xf32> to vector<1x1x1xf32>
        %reduce_sum3A_129 = vector.extract %reduce_sum3A_128[0, 0, 0] : f32 from vector<1x1x1xf32>
        %add3A_130 = arith.addf %mul3A_124, %reduce_sum3A_129 : f32
        %swap3A_131 = arith.constant 0 : index
        %swap3A_132 = arith.constant 0 : index
        %swap3A_133 = memref.load %arg21[%swap3A_131, %swap3A_132] : memref<1x1xf32, #tpu.memory_space<smem>>
        memref.store %add3A_130, %arg21[%swap3A_131, %swap3A_132] : memref<1x1xf32, #tpu.memory_space<smem>>
        %swap3A_134 = arith.constant 0 : index
        %swap3A_135 = arith.constant 0 : index
        %swap3A_136 = memref.load %arg20[%swap3A_134, %swap3A_135] : memref<1x1xf32, #tpu.memory_space<smem>>
        memref.store %max3A_115, %arg20[%swap3A_134, %swap3A_135] : memref<1x1xf32, #tpu.memory_space<smem>>
        %swap3A_137 = arith.index_cast %add3A_94 : i32 to index
        %swap3A_138 = arith.constant 0 : index
        %swap3A_139 = memref.load %arg22[%swap3A_137, %swap3A_138] : memref<49x1xf32, #tpu.memory_space<smem>>
        memref.store %max3A_115, %arg22[%swap3A_137, %swap3A_138] : memref<49x1xf32, #tpu.memory_space<smem>>
        %mul3A_140 = arith.constant 2048 : i32
        %mul3A_141 = arith.muli %add3A_94, %mul3A_140 : i32
        %swap3A_142 = arith.constant 0 : index
        %swap3A_143 = arith.index_cast %mul3A_141 : i32 to index
        %swap3A_144 = vector.load %arg16[%swap3A_142, %swap3A_143] : memref<1x100000xf32, #tpu.memory_space<vmem>>, vector<1x2048xf32>
        tpu.vector_store %arg16[%swap3A_142, %swap3A_143], %exp3A_118 {strides = array<i32>} : memref<1x100000xf32, #tpu.memory_space<vmem>>, vector<1x2048xf32>,
      } else {
      }
      %eq3A_83 = arith.constant 7 : i32
      %eq3A_84 = arith.cmpi eq, %sub3A_10, %eq3A_83 : i32
      %convert_element_type3A_85 = arith.extui %eq3A_84 : i1 to i32
      %cond3A_86 = arith.constant 0 : i32
      %cond3A_87 = arith.cmpi ne, %convert_element_type3A_85, %cond3A_86 : i32
      scf.if %cond3A_87 {
        %add3A_93 = arith.constant 41 : i32
        %add3A_94 = arith.addi %add3A_93, %sub3A_10 : i32
        %get3A_95 = arith.constant 0 : index
        %get3A_96 = arith.constant 0 : index
        %get3A_97 = vector.load %arg19[%get3A_95, %get3A_96] : memref<1x128xf32, #tpu.memory_space<vmem>>, vector<1x128xf32>
        %get3A_98 = arith.constant 0 : index
        %get3A_99 = arith.constant 0 : index
        %get3A_100 = vector.load %arg9[%get3A_98, %get3A_99] : memref<2048x128xf32, #tpu.memory_space<vmem>>, vector<2048x128xf32>
        %dot_general3A_101 = arith.constant dense<0.000000e+00> : vector<1x2048xf32>
        %dot_general3A_102 = tpu.matmul %get3A_97, %get3A_100, %dot_general3A_101 {dimension_numbers = #tpu.dot_dimension_numbers<[1], [1], [0], [0], [0, 0, 1, 0], [], []>, transpose_lhs_hint = false} : vector<1x128xf32>, vector<2048x128xf32>, vector<1x2048xf32> -> vector<1x2048xf32>
        %get3A_103 = arith.constant 0 : index
        %get3A_104 = vector.load %arg15[%get3A_103] : memref<2048xf32, #tpu.memory_space<vmem>>, vector<2048xf32>
        %reshape3A_105 = vector.shape_cast %get3A_104 : vector<2048xf32> to vector<1x2048xf32>
        %add3A_106 = arith.addf %dot_general3A_102, %reshape3A_105 : vector<1x2048xf32>
        %iota3A = tpu.iota {dimensions = array<i32: 1>} : vector<1x2048xi32>
        %lt3A_107 = arith.constant 1696 : i32
        %lt3A_108 = vector.broadcast %lt3A_107 : i32 to vector<1x2048xi32>
        %lt3A_109 = arith.cmpi slt, %iota3A, %lt3A_108 : vector<1x2048xi32>
        %jit3A = arith.constant 0xFF800000 : f32
        %broadcast_in_dim3A = vector.broadcast %jit3A : f32 to vector<1x2048xf32>
        %select_n3A = arith.select %lt3A_109, %add3A_106, %broadcast_in_dim3A : vector<1x2048xi1>, vector<1x2048xf32>
        %get3A_110 = arith.constant 0 : index
        %get3A_111 = arith.constant 0 : index
        %get3A_112 = memref.load %arg20[%get3A_110, %get3A_111] : memref<1x1xf32, #tpu.memory_space<smem>>
        %reduce_max3A_113 = vector.shape_cast %select_n3A : vector<1x2048xf32> to vector<1x1x2048xf32>
        %reduce_max3A_114 = arith.constant dense<0xFF800000> : vector<1xf32>
        %reduce_max3A_115 = vector.multi_reduction <maximumf>, %reduce_max3A_113, %reduce_max3A_114 [1, 2] : vector<1x1x2048xf32> to vector<1xf32>
        %reduce_max3A_116 = vector.shape_cast %reduce_max3A_115 : vector<1xf32> to vector<1x1x1xf32>
        %reduce_max3A_117 = vector.extract %reduce_max3A_116[0, 0, 0] : f32 from vector<1x1x1xf32>
        %max3A_118 = arith.maximumf %get3A_112, %reduce_max3A_117 : f32
        %sub3A_119 = vector.broadcast %max3A_118 : f32 to vector<1x2048xf32>
        %sub3A_120 = arith.subf %select_n3A, %sub3A_119 : vector<1x2048xf32>
        %exp3A_121 = math.exp %sub3A_120 : vector<1x2048xf32>
        %get3A_122 = arith.constant 0 : index
        %get3A_123 = arith.constant 0 : index
        %get3A_124 = memref.load %arg21[%get3A_122, %get3A_123] : memref<1x1xf32, #tpu.memory_space<smem>>
        %sub3A_125 = arith.subf %get3A_112, %max3A_118 : f32
        %exp3A_126 = math.exp %sub3A_125 : f32
        %mul3A_127 = arith.mulf %get3A_124, %exp3A_126 : f32
        %reduce_sum3A_128 = vector.shape_cast %exp3A_121 : vector<1x2048xf32> to vector<1x1x2048xf32>
        %reduce_sum3A_129 = arith.constant dense<0.000000e+00> : vector<1xf32>
        %reduce_sum3A_130 = vector.multi_reduction <add>, %reduce_sum3A_128, %reduce_sum3A_129 [1, 2] : vector<1x1x2048xf32> to vector<1xf32>
        %reduce_sum3A_131 = vector.shape_cast %reduce_sum3A_130 : vector<1xf32> to vector<1x1x1xf32>
        %reduce_sum3A_132 = vector.extract %reduce_sum3A_131[0, 0, 0] : f32 from vector<1x1x1xf32>
        %add3A_133 = arith.addf %mul3A_127, %reduce_sum3A_132 : f32
        %swap3A_134 = arith.constant 0 : index
        %swap3A_135 = arith.constant 0 : index
        %swap3A_136 = memref.load %arg21[%swap3A_134, %swap3A_135] : memref<1x1xf32, #tpu.memory_space<smem>>
        memref.store %add3A_133, %arg21[%swap3A_134, %swap3A_135] : memref<1x1xf32, #tpu.memory_space<smem>>
        %swap3A_137 = arith.constant 0 : index
        %swap3A_138 = arith.constant 0 : index
        %swap3A_139 = memref.load %arg20[%swap3A_137, %swap3A_138] : memref<1x1xf32, #tpu.memory_space<smem>>
        memref.store %max3A_118, %arg20[%swap3A_137, %swap3A_138] : memref<1x1xf32, #tpu.memory_space<smem>>
        %swap3A_140 = arith.index_cast %add3A_94 : i32 to index
        %swap3A_141 = arith.constant 0 : index
        %swap3A_142 = memref.load %arg22[%swap3A_140, %swap3A_141] : memref<49x1xf32, #tpu.memory_space<smem>>
        memref.store %max3A_118, %arg22[%swap3A_140, %swap3A_141] : memref<49x1xf32, #tpu.memory_space<smem>>
        %slice3A = vector.extract_strided_slice %exp3A_121 {offsets = [0, 0], sizes = [1, 1696], strides = [1, 1]} : vector<1x2048xf32> to vector<1x1696xf32>
        %swap3A_143 = arith.constant 0 : index
        %swap3A_144 = arith.constant 98304 : index
        %swap3A_145 = vector.load %arg16[%swap3A_143, %swap3A_144] : memref<1x100000xf32, #tpu.memory_space<vmem>>, vector<1x1696xf32>
        tpu.vector_store %arg16[%swap3A_143, %swap3A_144], %slice3A {strides = array<i32>} : memref<1x100000xf32, #tpu.memory_space<vmem>>, vector<1x1696xf32>,
      } else {
      }
      %eq3A_88 = arith.constant 8 : i32
      %eq3A_89 = arith.cmpi eq, %sub3A_10, %eq3A_88 : i32
      %convert_element_type3A_90 = arith.extui %eq3A_89 : i1 to i32
      %cond3A_91 = arith.constant 0 : i32
      %cond3A_92 = arith.cmpi ne, %convert_element_type3A_90, %cond3A_91 : i32
      scf.if %cond3A_92 {
        %get3A_93 = arith.constant 0 : index
        %get3A_94 = arith.constant 0 : index
        %get3A_95 = memref.load %arg20[%get3A_93, %get3A_94] : memref<1x1xf32, #tpu.memory_space<smem>>
        %get3A_96 = arith.constant 0 : index
        %get3A_97 = arith.constant 0 : index
        %get3A_98 = memref.load %arg21[%get3A_96, %get3A_97] : memref<1x1xf32, #tpu.memory_space<smem>>
        %div3A = arith.constant 1.000000e+00 : f32
        %div3A_99 = arith.divf %div3A, %get3A_98 : f32
        %get3A_100 = arith.constant 0 : index
        %get3A_101 = arith.constant 0 : index
        %get3A_102 = memref.load %arg22[%get3A_100, %get3A_101] : memref<49x1xf32, #tpu.memory_space<smem>>
        %sub3A_103 = arith.subf %get3A_102, %get3A_95 : f32
        %exp3A_104 = math.exp %sub3A_103 : f32
        %mul3A_105 = arith.mulf %exp3A_104, %div3A_99 : f32
        %get3A_106 = arith.constant 0 : index
        %get3A_107 = arith.constant 0 : index
        %get3A_108 = vector.load %arg16[%get3A_106, %get3A_107] : memref<1x100000xf32, #tpu.memory_space<vmem>>, vector<1x2048xf32>
        %mul3A_109 = vector.broadcast %mul3A_105 : f32 to vector<1x2048xf32>
        %mul3A_110 = arith.mulf %get3A_108, %mul3A_109 : vector<1x2048xf32>
        %swap3A_111 = arith.constant 0 : index
        %swap3A_112 = arith.constant 0 : index
        %swap3A_113 = vector.load %arg16[%swap3A_111, %swap3A_112] : memref<1x100000xf32, #tpu.memory_space<vmem>>, vector<1x2048xf32>
        tpu.vector_store %arg16[%swap3A_111, %swap3A_112], %mul3A_110 {strides = array<i32>} : memref<1x100000xf32, #tpu.memory_space<vmem>>, vector<1x2048xf32>,
        %get3A_114 = arith.constant 1 : index
        %get3A_115 = arith.constant 0 : index
        %get3A_116 = memref.load %arg22[%get3A_114, %get3A_115] : memref<49x1xf32, #tpu.memory_space<smem>>
        %sub3A_117 = arith.subf %get3A_116, %get3A_95 : f32
        %exp3A_118 = math.exp %sub3A_117 : f32
        %mul3A_119 = arith.mulf %exp3A_118, %div3A_99 : f32
        %get3A_120 = arith.constant 0 : index
        %get3A_121 = arith.constant 2048 : index
        %get3A_122 = vector.load %arg16[%get3A_120, %get3A_121] : memref<1x100000xf32, #tpu.memory_space<vmem>>, vector<1x2048xf32>
        %mul3A_123 = vector.broadcast %mul3A_119 : f32 to vector<1x2048xf32>
        %mul3A_124 = arith.mulf %get3A_122, %mul3A_123 : vector<1x2048xf32>
        %swap3A_125 = arith.constant 0 : index
        %swap3A_126 = arith.constant 2048 : index
        %swap3A_127 = vector.load %arg16[%swap3A_125, %swap3A_126] : memref<1x100000xf32, #tpu.memory_space<vmem>>, vector<1x2048xf32>
        tpu.vector_store %arg16[%swap3A_125, %swap3A_126], %mul3A_124 {strides = array<i32>} : memref<1x100000xf32, #tpu.memory_space<vmem>>, vector<1x2048xf32>,
        %get3A_128 = arith.constant 2 : index
        %get3A_129 = arith.constant 0 : index
        %get3A_130 = memref.load %arg22[%get3A_128, %get3A_129] : memref<49x1xf32, #tpu.memory_space<smem>>
        %sub3A_131 = arith.subf %get3A_130, %get3A_95 : f32
        %exp3A_132 = math.exp %sub3A_131 : f32
        %mul3A_133 = arith.mulf %exp3A_132, %div3A_99 : f32
        %get3A_134 = arith.constant 0 : index
        %get3A_135 = arith.constant 4096 : index
        %get3A_136 = vector.load %arg16[%get3A_134, %get3A_135] : memref<1x100000xf32, #tpu.memory_space<vmem>>, vector<1x2048xf32>
        %mul3A_137 = vector.broadcast %mul3A_133 : f32 to vector<1x2048xf32>
        %mul3A_138 = arith.mulf %get3A_136, %mul3A_137 : vector<1x2048xf32>
        %swap3A_139 = arith.constant 0 : index
        %swap3A_140 = arith.constant 4096 : index
        %swap3A_141 = vector.load %arg16[%swap3A_139, %swap3A_140] : memref<1x100000xf32, #tpu.memory_space<vmem>>, vector<1x2048xf32>
        tpu.vector_store %arg16[%swap3A_139, %swap3A_140], %mul3A_138 {strides = array<i32>} : memref<1x100000xf32, #tpu.memory_space<vmem>>, vector<1x2048xf32>,
        %get3A_142 = arith.constant 3 : index
        %get3A_143 = arith.constant 0 : index
        %get3A_144 = memref.load %arg22[%get3A_142, %get3A_143] : memref<49x1xf32, #tpu.memory_space<smem>>
        %sub3A_145 = arith.subf %get3A_144, %get3A_95 : f32
        %exp3A_146 = math.exp %sub3A_145 : f32
        %mul3A_147 = arith.mulf %exp3A_146, %div3A_99 : f32
        %get3A_148 = arith.constant 0 : index
        %get3A_149 = arith.constant 6144 : index
        %get3A_150 = vector.load %arg16[%get3A_148, %get3A_149] : memref<1x100000xf32, #tpu.memory_space<vmem>>, vector<1x2048xf32>
        %mul3A_151 = vector.broadcast %mul3A_147 : f32 to vector<1x2048xf32>
        %mul3A_152 = arith.mulf %get3A_150, %mul3A_151 : vector<1x2048xf32>
        %swap3A_153 = arith.constant 0 : index
        %swap3A_154 = arith.constant 6144 : index
        %swap3A_155 = vector.load %arg16[%swap3A_153, %swap3A_154] : memref<1x100000xf32, #tpu.memory_space<vmem>>, vector<1x2048xf32>
        tpu.vector_store %arg16[%swap3A_153, %swap3A_154], %mul3A_152 {strides = array<i32>} : memref<1x100000xf32, #tpu.memory_space<vmem>>, vector<1x2048xf32>,
        %get3A_156 = arith.constant 4 : index
        %get3A_157 = arith.constant 0 : index
        %get3A_158 = memref.load %arg22[%get3A_156, %get3A_157] : memref<49x1xf32, #tpu.memory_space<smem>>
        %sub3A_159 = arith.subf %get3A_158, %get3A_95 : f32
        %exp3A_160 = math.exp %sub3A_159 : f32
        %mul3A_161 = arith.mulf %exp3A_160, %div3A_99 : f32
        %get3A_162 = arith.constant 0 : index
        %get3A_163 = arith.constant 8192 : index
        %get3A_164 = vector.load %arg16[%get3A_162, %get3A_163] : memref<1x100000xf32, #tpu.memory_space<vmem>>, vector<1x2048xf32>
        %mul3A_165 = vector.broadcast %mul3A_161 : f32 to vector<1x2048xf32>
        %mul3A_166 = arith.mulf %get3A_164, %mul3A_165 : vector<1x2048xf32>
        %swap3A_167 = arith.constant 0 : index
        %swap3A_168 = arith.constant 8192 : index
        %swap3A_169 = vector.load %arg16[%swap3A_167, %swap3A_168] : memref<1x100000xf32, #tpu.memory_space<vmem>>, vector<1x2048xf32>
        tpu.vector_store %arg16[%swap3A_167, %swap3A_168], %mul3A_166 {strides = array<i32>} : memref<1x100000xf32, #tpu.memory_space<vmem>>, vector<1x2048xf32>,
        %get3A_170 = arith.constant 5 : index
        %get3A_171 = arith.constant 0 : index
        %get3A_172 = memref.load %arg22[%get3A_170, %get3A_171] : memref<49x1xf32, #tpu.memory_space<smem>>
        %sub3A_173 = arith.subf %get3A_172, %get3A_95 : f32
        %exp3A_174 = math.exp %sub3A_173 : f32
        %mul3A_175 = arith.mulf %exp3A_174, %div3A_99 : f32
        %get3A_176 = arith.constant 0 : index
        %get3A_177 = arith.constant 10240 : index
        %get3A_178 = vector.load %arg16[%get3A_176, %get3A_177] : memref<1x100000xf32, #tpu.memory_space<vmem>>, vector<1x2048xf32>
        %mul3A_179 = vector.broadcast %mul3A_175 : f32 to vector<1x2048xf32>
        %mul3A_180 = arith.mulf %get3A_178, %mul3A_179 : vector<1x2048xf32>
        %swap3A_181 = arith.constant 0 : index
        %swap3A_182 = arith.constant 10240 : index
        %swap3A_183 = vector.load %arg16[%swap3A_181, %swap3A_182] : memref<1x100000xf32, #tpu.memory_space<vmem>>, vector<1x2048xf32>
        tpu.vector_store %arg16[%swap3A_181, %swap3A_182], %mul3A_180 {strides = array<i32>} : memref<1x100000xf32, #tpu.memory_space<vmem>>, vector<1x2048xf32>,
        %get3A_184 = arith.constant 6 : index
        %get3A_185 = arith.constant 0 : index
        %get3A_186 = memref.load %arg22[%get3A_184, %get3A_185] : memref<49x1xf32, #tpu.memory_space<smem>>
        %sub3A_187 = arith.subf %get3A_186, %get3A_95 : f32
        %exp3A_188 = math.exp %sub3A_187 : f32
        %mul3A_189 = arith.mulf %exp3A_188, %div3A_99 : f32
        %get3A_190 = arith.constant 0 : index
        %get3A_191 = arith.constant 12288 : index
        %get3A_192 = vector.load %arg16[%get3A_190, %get3A_191] : memref<1x100000xf32, #tpu.memory_space<vmem>>, vector<1x2048xf32>
        %mul3A_193 = vector.broadcast %mul3A_189 : f32 to vector<1x2048xf32>
        %mul3A_194 = arith.mulf %get3A_192, %mul3A_193 : vector<1x2048xf32>
        %swap3A_195 = arith.constant 0 : index
        %swap3A_196 = arith.constant 12288 : index
        %swap3A_197 = vector.load %arg16[%swap3A_195, %swap3A_196] : memref<1x100000xf32, #tpu.memory_space<vmem>>, vector<1x2048xf32>
        tpu.vector_store %arg16[%swap3A_195, %swap3A_196], %mul3A_194 {strides = array<i32>} : memref<1x100000xf32, #tpu.memory_space<vmem>>, vector<1x2048xf32>,
        %get3A_198 = arith.constant 7 : index
        %get3A_199 = arith.constant 0 : index
        %get3A_200 = memref.load %arg22[%get3A_198, %get3A_199] : memref<49x1xf32, #tpu.memory_space<smem>>
        %sub3A_201 = arith.subf %get3A_200, %get3A_95 : f32
        %exp3A_202 = math.exp %sub3A_201 : f32
        %mul3A_203 = arith.mulf %exp3A_202, %div3A_99 : f32
        %get3A_204 = arith.constant 0 : index
        %get3A_205 = arith.constant 14336 : index
        %get3A_206 = vector.load %arg16[%get3A_204, %get3A_205] : memref<1x100000xf32, #tpu.memory_space<vmem>>, vector<1x2048xf32>
        %mul3A_207 = vector.broadcast %mul3A_203 : f32 to vector<1x2048xf32>
        %mul3A_208 = arith.mulf %get3A_206, %mul3A_207 : vector<1x2048xf32>
        %swap3A_209 = arith.constant 0 : index
        %swap3A_210 = arith.constant 14336 : index
        %swap3A_211 = vector.load %arg16[%swap3A_209, %swap3A_210] : memref<1x100000xf32, #tpu.memory_space<vmem>>, vector<1x2048xf32>
        tpu.vector_store %arg16[%swap3A_209, %swap3A_210], %mul3A_208 {strides = array<i32>} : memref<1x100000xf32, #tpu.memory_space<vmem>>, vector<1x2048xf32>,
        %get3A_212 = arith.constant 8 : index
        %get3A_213 = arith.constant 0 : index
        %get3A_214 = memref.load %arg22[%get3A_212, %get3A_213] : memref<49x1xf32, #tpu.memory_space<smem>>
        %sub3A_215 = arith.subf %get3A_214, %get3A_95 : f32
        %exp3A_216 = math.exp %sub3A_215 : f32
        %mul3A_217 = arith.mulf %exp3A_216, %div3A_99 : f32
        %get3A_218 = arith.constant 0 : index
        %get3A_219 = arith.constant 16384 : index
        %get3A_220 = vector.load %arg16[%get3A_218, %get3A_219] : memref<1x100000xf32, #tpu.memory_space<vmem>>, vector<1x2048xf32>
        %mul3A_221 = vector.broadcast %mul3A_217 : f32 to vector<1x2048xf32>
        %mul3A_222 = arith.mulf %get3A_220, %mul3A_221 : vector<1x2048xf32>
        %swap3A_223 = arith.constant 0 : index
        %swap3A_224 = arith.constant 16384 : index
        %swap3A_225 = vector.load %arg16[%swap3A_223, %swap3A_224] : memref<1x100000xf32, #tpu.memory_space<vmem>>, vector<1x2048xf32>
        tpu.vector_store %arg16[%swap3A_223, %swap3A_224], %mul3A_222 {strides = array<i32>} : memref<1x100000xf32, #tpu.memory_space<vmem>>, vector<1x2048xf32>,
        %get3A_226 = arith.constant 9 : index
        %get3A_227 = arith.constant 0 : index
        %get3A_228 = memref.load %arg22[%get3A_226, %get3A_227] : memref<49x1xf32, #tpu.memory_space<smem>>
        %sub3A_229 = arith.subf %get3A_228, %get3A_95 : f32
        %exp3A_230 = math.exp %sub3A_229 : f32
        %mul3A_231 = arith.mulf %exp3A_230, %div3A_99 : f32
        %get3A_232 = arith.constant 0 : index
        %get3A_233 = arith.constant 18432 : index
        %get3A_234 = vector.load %arg16[%get3A_232, %get3A_233] : memref<1x100000xf32, #tpu.memory_space<vmem>>, vector<1x2048xf32>
        %mul3A_235 = vector.broadcast %mul3A_231 : f32 to vector<1x2048xf32>
        %mul3A_236 = arith.mulf %get3A_234, %mul3A_235 : vector<1x2048xf32>
        %swap3A_237 = arith.constant 0 : index
        %swap3A_238 = arith.constant 18432 : index
        %swap3A_239 = vector.load %arg16[%swap3A_237, %swap3A_238] : memref<1x100000xf32, #tpu.memory_space<vmem>>, vector<1x2048xf32>
        tpu.vector_store %arg16[%swap3A_237, %swap3A_238], %mul3A_236 {strides = array<i32>} : memref<1x100000xf32, #tpu.memory_space<vmem>>, vector<1x2048xf32>,
        %get3A_240 = arith.constant 10 : index
        %get3A_241 = arith.constant 0 : index
        %get3A_242 = memref.load %arg22[%get3A_240, %get3A_241] : memref<49x1xf32, #tpu.memory_space<smem>>
        %sub3A_243 = arith.subf %get3A_242, %get3A_95 : f32
        %exp3A_244 = math.exp %sub3A_243 : f32
        %mul3A_245 = arith.mulf %exp3A_244, %div3A_99 : f32
        %get3A_246 = arith.constant 0 : index
        %get3A_247 = arith.constant 20480 : index
        %get3A_248 = vector.load %arg16[%get3A_246, %get3A_247] : memref<1x100000xf32, #tpu.memory_space<vmem>>, vector<1x2048xf32>
        %mul3A_249 = vector.broadcast %mul3A_245 : f32 to vector<1x2048xf32>
        %mul3A_250 = arith.mulf %get3A_248, %mul3A_249 : vector<1x2048xf32>
        %swap3A_251 = arith.constant 0 : index
        %swap3A_252 = arith.constant 20480 : index
        %swap3A_253 = vector.load %arg16[%swap3A_251, %swap3A_252] : memref<1x100000xf32, #tpu.memory_space<vmem>>, vector<1x2048xf32>
        tpu.vector_store %arg16[%swap3A_251, %swap3A_252], %mul3A_250 {strides = array<i32>} : memref<1x100000xf32, #tpu.memory_space<vmem>>, vector<1x2048xf32>,
        %get3A_254 = arith.constant 11 : index
        %get3A_255 = arith.constant 0 : index
        %get3A_256 = memref.load %arg22[%get3A_254, %get3A_255] : memref<49x1xf32, #tpu.memory_space<smem>>
        %sub3A_257 = arith.subf %get3A_256, %get3A_95 : f32
        %exp3A_258 = math.exp %sub3A_257 : f32
        %mul3A_259 = arith.mulf %exp3A_258, %div3A_99 : f32
        %get3A_260 = arith.constant 0 : index
        %get3A_261 = arith.constant 22528 : index
        %get3A_262 = vector.load %arg16[%get3A_260, %get3A_261] : memref<1x100000xf32, #tpu.memory_space<vmem>>, vector<1x2048xf32>
        %mul3A_263 = vector.broadcast %mul3A_259 : f32 to vector<1x2048xf32>
        %mul3A_264 = arith.mulf %get3A_262, %mul3A_263 : vector<1x2048xf32>
        %swap3A_265 = arith.constant 0 : index
        %swap3A_266 = arith.constant 22528 : index
        %swap3A_267 = vector.load %arg16[%swap3A_265, %swap3A_266] : memref<1x100000xf32, #tpu.memory_space<vmem>>, vector<1x2048xf32>
        tpu.vector_store %arg16[%swap3A_265, %swap3A_266], %mul3A_264 {strides = array<i32>} : memref<1x100000xf32, #tpu.memory_space<vmem>>, vector<1x2048xf32>,
        %get3A_268 = arith.constant 12 : index
        %get3A_269 = arith.constant 0 : index
        %get3A_270 = memref.load %arg22[%get3A_268, %get3A_269] : memref<49x1xf32, #tpu.memory_space<smem>>
        %sub3A_271 = arith.subf %get3A_270, %get3A_95 : f32
        %exp3A_272 = math.exp %sub3A_271 : f32
        %mul3A_273 = arith.mulf %exp3A_272, %div3A_99 : f32
        %get3A_274 = arith.constant 0 : index
        %get3A_275 = arith.constant 24576 : index
        %get3A_276 = vector.load %arg16[%get3A_274, %get3A_275] : memref<1x100000xf32, #tpu.memory_space<vmem>>, vector<1x2048xf32>
        %mul3A_277 = vector.broadcast %mul3A_273 : f32 to vector<1x2048xf32>
        %mul3A_278 = arith.mulf %get3A_276, %mul3A_277 : vector<1x2048xf32>
        %swap3A_279 = arith.constant 0 : index
        %swap3A_280 = arith.constant 24576 : index
        %swap3A_281 = vector.load %arg16[%swap3A_279, %swap3A_280] : memref<1x100000xf32, #tpu.memory_space<vmem>>, vector<1x2048xf32>
        tpu.vector_store %arg16[%swap3A_279, %swap3A_280], %mul3A_278 {strides = array<i32>} : memref<1x100000xf32, #tpu.memory_space<vmem>>, vector<1x2048xf32>,
        %get3A_282 = arith.constant 13 : index
        %get3A_283 = arith.constant 0 : index
        %get3A_284 = memref.load %arg22[%get3A_282, %get3A_283] : memref<49x1xf32, #tpu.memory_space<smem>>
        %sub3A_285 = arith.subf %get3A_284, %get3A_95 : f32
        %exp3A_286 = math.exp %sub3A_285 : f32
        %mul3A_287 = arith.mulf %exp3A_286, %div3A_99 : f32
        %get3A_288 = arith.constant 0 : index
        %get3A_289 = arith.constant 26624 : index
        %get3A_290 = vector.load %arg16[%get3A_288, %get3A_289] : memref<1x100000xf32, #tpu.memory_space<vmem>>, vector<1x2048xf32>
        %mul3A_291 = vector.broadcast %mul3A_287 : f32 to vector<1x2048xf32>
        %mul3A_292 = arith.mulf %get3A_290, %mul3A_291 : vector<1x2048xf32>
        %swap3A_293 = arith.constant 0 : index
        %swap3A_294 = arith.constant 26624 : index
        %swap3A_295 = vector.load %arg16[%swap3A_293, %swap3A_294] : memref<1x100000xf32, #tpu.memory_space<vmem>>, vector<1x2048xf32>
        tpu.vector_store %arg16[%swap3A_293, %swap3A_294], %mul3A_292 {strides = array<i32>} : memref<1x100000xf32, #tpu.memory_space<vmem>>, vector<1x2048xf32>,
        %get3A_296 = arith.constant 14 : index
        %get3A_297 = arith.constant 0 : index
        %get3A_298 = memref.load %arg22[%get3A_296, %get3A_297] : memref<49x1xf32, #tpu.memory_space<smem>>
        %sub3A_299 = arith.subf %get3A_298, %get3A_95 : f32
        %exp3A_300 = math.exp %sub3A_299 : f32
        %mul3A_301 = arith.mulf %exp3A_300, %div3A_99 : f32
        %get3A_302 = arith.constant 0 : index
        %get3A_303 = arith.constant 28672 : index
        %get3A_304 = vector.load %arg16[%get3A_302, %get3A_303] : memref<1x100000xf32, #tpu.memory_space<vmem>>, vector<1x2048xf32>
        %mul3A_305 = vector.broadcast %mul3A_301 : f32 to vector<1x2048xf32>
        %mul3A_306 = arith.mulf %get3A_304, %mul3A_305 : vector<1x2048xf32>
        %swap3A_307 = arith.constant 0 : index
        %swap3A_308 = arith.constant 28672 : index
        %swap3A_309 = vector.load %arg16[%swap3A_307, %swap3A_308] : memref<1x100000xf32, #tpu.memory_space<vmem>>, vector<1x2048xf32>
        tpu.vector_store %arg16[%swap3A_307, %swap3A_308], %mul3A_306 {strides = array<i32>} : memref<1x100000xf32, #tpu.memory_space<vmem>>, vector<1x2048xf32>,
        %get3A_310 = arith.constant 15 : index
        %get3A_311 = arith.constant 0 : index
        %get3A_312 = memref.load %arg22[%get3A_310, %get3A_311] : memref<49x1xf32, #tpu.memory_space<smem>>
        %sub3A_313 = arith.subf %get3A_312, %get3A_95 : f32
        %exp3A_314 = math.exp %sub3A_313 : f32
        %mul3A_315 = arith.mulf %exp3A_314, %div3A_99 : f32
        %get3A_316 = arith.constant 0 : index
        %get3A_317 = arith.constant 30720 : index
        %get3A_318 = vector.load %arg16[%get3A_316, %get3A_317] : memref<1x100000xf32, #tpu.memory_space<vmem>>, vector<1x2048xf32>
        %mul3A_319 = vector.broadcast %mul3A_315 : f32 to vector<1x2048xf32>
        %mul3A_320 = arith.mulf %get3A_318, %mul3A_319 : vector<1x2048xf32>
        %swap3A_321 = arith.constant 0 : index
        %swap3A_322 = arith.constant 30720 : index
        %swap3A_323 = vector.load %arg16[%swap3A_321, %swap3A_322] : memref<1x100000xf32, #tpu.memory_space<vmem>>, vector<1x2048xf32>
        tpu.vector_store %arg16[%swap3A_321, %swap3A_322], %mul3A_320 {strides = array<i32>} : memref<1x100000xf32, #tpu.memory_space<vmem>>, vector<1x2048xf32>,
        %get3A_324 = arith.constant 16 : index
        %get3A_325 = arith.constant 0 : index
        %get3A_326 = memref.load %arg22[%get3A_324, %get3A_325] : memref<49x1xf32, #tpu.memory_space<smem>>
        %sub3A_327 = arith.subf %get3A_326, %get3A_95 : f32
        %exp3A_328 = math.exp %sub3A_327 : f32
        %mul3A_329 = arith.mulf %exp3A_328, %div3A_99 : f32
        %get3A_330 = arith.constant 0 : index
        %get3A_331 = arith.constant 32768 : index
        %get3A_332 = vector.load %arg16[%get3A_330, %get3A_331] : memref<1x100000xf32, #tpu.memory_space<vmem>>, vector<1x2048xf32>
        %mul3A_333 = vector.broadcast %mul3A_329 : f32 to vector<1x2048xf32>
        %mul3A_334 = arith.mulf %get3A_332, %mul3A_333 : vector<1x2048xf32>
        %swap3A_335 = arith.constant 0 : index
        %swap3A_336 = arith.constant 32768 : index
        %swap3A_337 = vector.load %arg16[%swap3A_335, %swap3A_336] : memref<1x100000xf32, #tpu.memory_space<vmem>>, vector<1x2048xf32>
        tpu.vector_store %arg16[%swap3A_335, %swap3A_336], %mul3A_334 {strides = array<i32>} : memref<1x100000xf32, #tpu.memory_space<vmem>>, vector<1x2048xf32>,
        %get3A_338 = arith.constant 17 : index
        %get3A_339 = arith.constant 0 : index
        %get3A_340 = memref.load %arg22[%get3A_338, %get3A_339] : memref<49x1xf32, #tpu.memory_space<smem>>
        %sub3A_341 = arith.subf %get3A_340, %get3A_95 : f32
        %exp3A_342 = math.exp %sub3A_341 : f32
        %mul3A_343 = arith.mulf %exp3A_342, %div3A_99 : f32
        %get3A_344 = arith.constant 0 : index
        %get3A_345 = arith.constant 34816 : index
        %get3A_346 = vector.load %arg16[%get3A_344, %get3A_345] : memref<1x100000xf32, #tpu.memory_space<vmem>>, vector<1x2048xf32>
        %mul3A_347 = vector.broadcast %mul3A_343 : f32 to vector<1x2048xf32>
        %mul3A_348 = arith.mulf %get3A_346, %mul3A_347 : vector<1x2048xf32>
        %swap3A_349 = arith.constant 0 : index
        %swap3A_350 = arith.constant 34816 : index
        %swap3A_351 = vector.load %arg16[%swap3A_349, %swap3A_350] : memref<1x100000xf32, #tpu.memory_space<vmem>>, vector<1x2048xf32>
        tpu.vector_store %arg16[%swap3A_349, %swap3A_350], %mul3A_348 {strides = array<i32>} : memref<1x100000xf32, #tpu.memory_space<vmem>>, vector<1x2048xf32>,
        %get3A_352 = arith.constant 18 : index
        %get3A_353 = arith.constant 0 : index
        %get3A_354 = memref.load %arg22[%get3A_352, %get3A_353] : memref<49x1xf32, #tpu.memory_space<smem>>
        %sub3A_355 = arith.subf %get3A_354, %get3A_95 : f32
        %exp3A_356 = math.exp %sub3A_355 : f32
        %mul3A_357 = arith.mulf %exp3A_356, %div3A_99 : f32
        %get3A_358 = arith.constant 0 : index
        %get3A_359 = arith.constant 36864 : index
        %get3A_360 = vector.load %arg16[%get3A_358, %get3A_359] : memref<1x100000xf32, #tpu.memory_space<vmem>>, vector<1x2048xf32>
        %mul3A_361 = vector.broadcast %mul3A_357 : f32 to vector<1x2048xf32>
        %mul3A_362 = arith.mulf %get3A_360, %mul3A_361 : vector<1x2048xf32>
        %swap3A_363 = arith.constant 0 : index
        %swap3A_364 = arith.constant 36864 : index
        %swap3A_365 = vector.load %arg16[%swap3A_363, %swap3A_364] : memref<1x100000xf32, #tpu.memory_space<vmem>>, vector<1x2048xf32>
        tpu.vector_store %arg16[%swap3A_363, %swap3A_364], %mul3A_362 {strides = array<i32>} : memref<1x100000xf32, #tpu.memory_space<vmem>>, vector<1x2048xf32>,
        %get3A_366 = arith.constant 19 : index
        %get3A_367 = arith.constant 0 : index
        %get3A_368 = memref.load %arg22[%get3A_366, %get3A_367] : memref<49x1xf32, #tpu.memory_space<smem>>
        %sub3A_369 = arith.subf %get3A_368, %get3A_95 : f32
        %exp3A_370 = math.exp %sub3A_369 : f32
        %mul3A_371 = arith.mulf %exp3A_370, %div3A_99 : f32
        %get3A_372 = arith.constant 0 : index
        %get3A_373 = arith.constant 38912 : index
        %get3A_374 = vector.load %arg16[%get3A_372, %get3A_373] : memref<1x100000xf32, #tpu.memory_space<vmem>>, vector<1x2048xf32>
        %mul3A_375 = vector.broadcast %mul3A_371 : f32 to vector<1x2048xf32>
        %mul3A_376 = arith.mulf %get3A_374, %mul3A_375 : vector<1x2048xf32>
        %swap3A_377 = arith.constant 0 : index
        %swap3A_378 = arith.constant 38912 : index
        %swap3A_379 = vector.load %arg16[%swap3A_377, %swap3A_378] : memref<1x100000xf32, #tpu.memory_space<vmem>>, vector<1x2048xf32>
        tpu.vector_store %arg16[%swap3A_377, %swap3A_378], %mul3A_376 {strides = array<i32>} : memref<1x100000xf32, #tpu.memory_space<vmem>>, vector<1x2048xf32>,
        %get3A_380 = arith.constant 20 : index
        %get3A_381 = arith.constant 0 : index
        %get3A_382 = memref.load %arg22[%get3A_380, %get3A_381] : memref<49x1xf32, #tpu.memory_space<smem>>
        %sub3A_383 = arith.subf %get3A_382, %get3A_95 : f32
        %exp3A_384 = math.exp %sub3A_383 : f32
        %mul3A_385 = arith.mulf %exp3A_384, %div3A_99 : f32
        %get3A_386 = arith.constant 0 : index
        %get3A_387 = arith.constant 40960 : index
        %get3A_388 = vector.load %arg16[%get3A_386, %get3A_387] : memref<1x100000xf32, #tpu.memory_space<vmem>>, vector<1x2048xf32>
        %mul3A_389 = vector.broadcast %mul3A_385 : f32 to vector<1x2048xf32>
        %mul3A_390 = arith.mulf %get3A_388, %mul3A_389 : vector<1x2048xf32>
        %swap3A_391 = arith.constant 0 : index
        %swap3A_392 = arith.constant 40960 : index
        %swap3A_393 = vector.load %arg16[%swap3A_391, %swap3A_392] : memref<1x100000xf32, #tpu.memory_space<vmem>>, vector<1x2048xf32>
        tpu.vector_store %arg16[%swap3A_391, %swap3A_392], %mul3A_390 {strides = array<i32>} : memref<1x100000xf32, #tpu.memory_space<vmem>>, vector<1x2048xf32>,
        %get3A_394 = arith.constant 21 : index
        %get3A_395 = arith.constant 0 : index
        %get3A_396 = memref.load %arg22[%get3A_394, %get3A_395] : memref<49x1xf32, #tpu.memory_space<smem>>
        %sub3A_397 = arith.subf %get3A_396, %get3A_95 : f32
        %exp3A_398 = math.exp %sub3A_397 : f32
        %mul3A_399 = arith.mulf %exp3A_398, %div3A_99 : f32
        %get3A_400 = arith.constant 0 : index
        %get3A_401 = arith.constant 43008 : index
        %get3A_402 = vector.load %arg16[%get3A_400, %get3A_401] : memref<1x100000xf32, #tpu.memory_space<vmem>>, vector<1x2048xf32>
        %mul3A_403 = vector.broadcast %mul3A_399 : f32 to vector<1x2048xf32>
        %mul3A_404 = arith.mulf %get3A_402, %mul3A_403 : vector<1x2048xf32>
        %swap3A_405 = arith.constant 0 : index
        %swap3A_406 = arith.constant 43008 : index
        %swap3A_407 = vector.load %arg16[%swap3A_405, %swap3A_406] : memref<1x100000xf32, #tpu.memory_space<vmem>>, vector<1x2048xf32>
        tpu.vector_store %arg16[%swap3A_405, %swap3A_406], %mul3A_404 {strides = array<i32>} : memref<1x100000xf32, #tpu.memory_space<vmem>>, vector<1x2048xf32>,
        %get3A_408 = arith.constant 22 : index
        %get3A_409 = arith.constant 0 : index
        %get3A_410 = memref.load %arg22[%get3A_408, %get3A_409] : memref<49x1xf32, #tpu.memory_space<smem>>
        %sub3A_411 = arith.subf %get3A_410, %get3A_95 : f32
        %exp3A_412 = math.exp %sub3A_411 : f32
        %mul3A_413 = arith.mulf %exp3A_412, %div3A_99 : f32
        %get3A_414 = arith.constant 0 : index
        %get3A_415 = arith.constant 45056 : index
        %get3A_416 = vector.load %arg16[%get3A_414, %get3A_415] : memref<1x100000xf32, #tpu.memory_space<vmem>>, vector<1x2048xf32>
        %mul3A_417 = vector.broadcast %mul3A_413 : f32 to vector<1x2048xf32>
        %mul3A_418 = arith.mulf %get3A_416, %mul3A_417 : vector<1x2048xf32>
        %swap3A_419 = arith.constant 0 : index
        %swap3A_420 = arith.constant 45056 : index
        %swap3A_421 = vector.load %arg16[%swap3A_419, %swap3A_420] : memref<1x100000xf32, #tpu.memory_space<vmem>>, vector<1x2048xf32>
        tpu.vector_store %arg16[%swap3A_419, %swap3A_420], %mul3A_418 {strides = array<i32>} : memref<1x100000xf32, #tpu.memory_space<vmem>>, vector<1x2048xf32>,
        %get3A_422 = arith.constant 23 : index
        %get3A_423 = arith.constant 0 : index
        %get3A_424 = memref.load %arg22[%get3A_422, %get3A_423] : memref<49x1xf32, #tpu.memory_space<smem>>
        %sub3A_425 = arith.subf %get3A_424, %get3A_95 : f32
        %exp3A_426 = math.exp %sub3A_425 : f32
        %mul3A_427 = arith.mulf %exp3A_426, %div3A_99 : f32
        %get3A_428 = arith.constant 0 : index
        %get3A_429 = arith.constant 47104 : index
        %get3A_430 = vector.load %arg16[%get3A_428, %get3A_429] : memref<1x100000xf32, #tpu.memory_space<vmem>>, vector<1x2048xf32>
        %mul3A_431 = vector.broadcast %mul3A_427 : f32 to vector<1x2048xf32>
        %mul3A_432 = arith.mulf %get3A_430, %mul3A_431 : vector<1x2048xf32>
        %swap3A_433 = arith.constant 0 : index
        %swap3A_434 = arith.constant 47104 : index
        %swap3A_435 = vector.load %arg16[%swap3A_433, %swap3A_434] : memref<1x100000xf32, #tpu.memory_space<vmem>>, vector<1x2048xf32>
        tpu.vector_store %arg16[%swap3A_433, %swap3A_434], %mul3A_432 {strides = array<i32>} : memref<1x100000xf32, #tpu.memory_space<vmem>>, vector<1x2048xf32>,
        %get3A_436 = arith.constant 24 : index
        %get3A_437 = arith.constant 0 : index
        %get3A_438 = memref.load %arg22[%get3A_436, %get3A_437] : memref<49x1xf32, #tpu.memory_space<smem>>
        %sub3A_439 = arith.subf %get3A_438, %get3A_95 : f32
        %exp3A_440 = math.exp %sub3A_439 : f32
        %mul3A_441 = arith.mulf %exp3A_440, %div3A_99 : f32
        %get3A_442 = arith.constant 0 : index
        %get3A_443 = arith.constant 49152 : index
        %get3A_444 = vector.load %arg16[%get3A_442, %get3A_443] : memref<1x100000xf32, #tpu.memory_space<vmem>>, vector<1x2048xf32>
        %mul3A_445 = vector.broadcast %mul3A_441 : f32 to vector<1x2048xf32>
        %mul3A_446 = arith.mulf %get3A_444, %mul3A_445 : vector<1x2048xf32>
        %swap3A_447 = arith.constant 0 : index
        %swap3A_448 = arith.constant 49152 : index
        %swap3A_449 = vector.load %arg16[%swap3A_447, %swap3A_448] : memref<1x100000xf32, #tpu.memory_space<vmem>>, vector<1x2048xf32>
        tpu.vector_store %arg16[%swap3A_447, %swap3A_448], %mul3A_446 {strides = array<i32>} : memref<1x100000xf32, #tpu.memory_space<vmem>>, vector<1x2048xf32>,
        %get3A_450 = arith.constant 25 : index
        %get3A_451 = arith.constant 0 : index
        %get3A_452 = memref.load %arg22[%get3A_450, %get3A_451] : memref<49x1xf32, #tpu.memory_space<smem>>
        %sub3A_453 = arith.subf %get3A_452, %get3A_95 : f32
        %exp3A_454 = math.exp %sub3A_453 : f32
        %mul3A_455 = arith.mulf %exp3A_454, %div3A_99 : f32
        %get3A_456 = arith.constant 0 : index
        %get3A_457 = arith.constant 51200 : index
        %get3A_458 = vector.load %arg16[%get3A_456, %get3A_457] : memref<1x100000xf32, #tpu.memory_space<vmem>>, vector<1x2048xf32>
        %mul3A_459 = vector.broadcast %mul3A_455 : f32 to vector<1x2048xf32>
        %mul3A_460 = arith.mulf %get3A_458, %mul3A_459 : vector<1x2048xf32>
        %swap3A_461 = arith.constant 0 : index
        %swap3A_462 = arith.constant 51200 : index
        %swap3A_463 = vector.load %arg16[%swap3A_461, %swap3A_462] : memref<1x100000xf32, #tpu.memory_space<vmem>>, vector<1x2048xf32>
        tpu.vector_store %arg16[%swap3A_461, %swap3A_462], %mul3A_460 {strides = array<i32>} : memref<1x100000xf32, #tpu.memory_space<vmem>>, vector<1x2048xf32>,
        %get3A_464 = arith.constant 26 : index
        %get3A_465 = arith.constant 0 : index
        %get3A_466 = memref.load %arg22[%get3A_464, %get3A_465] : memref<49x1xf32, #tpu.memory_space<smem>>
        %sub3A_467 = arith.subf %get3A_466, %get3A_95 : f32
        %exp3A_468 = math.exp %sub3A_467 : f32
        %mul3A_469 = arith.mulf %exp3A_468, %div3A_99 : f32
        %get3A_470 = arith.constant 0 : index
        %get3A_471 = arith.constant 53248 : index
        %get3A_472 = vector.load %arg16[%get3A_470, %get3A_471] : memref<1x100000xf32, #tpu.memory_space<vmem>>, vector<1x2048xf32>
        %mul3A_473 = vector.broadcast %mul3A_469 : f32 to vector<1x2048xf32>
        %mul3A_474 = arith.mulf %get3A_472, %mul3A_473 : vector<1x2048xf32>
        %swap3A_475 = arith.constant 0 : index
        %swap3A_476 = arith.constant 53248 : index
        %swap3A_477 = vector.load %arg16[%swap3A_475, %swap3A_476] : memref<1x100000xf32, #tpu.memory_space<vmem>>, vector<1x2048xf32>
        tpu.vector_store %arg16[%swap3A_475, %swap3A_476], %mul3A_474 {strides = array<i32>} : memref<1x100000xf32, #tpu.memory_space<vmem>>, vector<1x2048xf32>,
        %get3A_478 = arith.constant 27 : index
        %get3A_479 = arith.constant 0 : index
        %get3A_480 = memref.load %arg22[%get3A_478, %get3A_479] : memref<49x1xf32, #tpu.memory_space<smem>>
        %sub3A_481 = arith.subf %get3A_480, %get3A_95 : f32
        %exp3A_482 = math.exp %sub3A_481 : f32
        %mul3A_483 = arith.mulf %exp3A_482, %div3A_99 : f32
        %get3A_484 = arith.constant 0 : index
        %get3A_485 = arith.constant 55296 : index
        %get3A_486 = vector.load %arg16[%get3A_484, %get3A_485] : memref<1x100000xf32, #tpu.memory_space<vmem>>, vector<1x2048xf32>
        %mul3A_487 = vector.broadcast %mul3A_483 : f32 to vector<1x2048xf32>
        %mul3A_488 = arith.mulf %get3A_486, %mul3A_487 : vector<1x2048xf32>
        %swap3A_489 = arith.constant 0 : index
        %swap3A_490 = arith.constant 55296 : index
        %swap3A_491 = vector.load %arg16[%swap3A_489, %swap3A_490] : memref<1x100000xf32, #tpu.memory_space<vmem>>, vector<1x2048xf32>
        tpu.vector_store %arg16[%swap3A_489, %swap3A_490], %mul3A_488 {strides = array<i32>} : memref<1x100000xf32, #tpu.memory_space<vmem>>, vector<1x2048xf32>,
        %get3A_492 = arith.constant 28 : index
        %get3A_493 = arith.constant 0 : index
        %get3A_494 = memref.load %arg22[%get3A_492, %get3A_493] : memref<49x1xf32, #tpu.memory_space<smem>>
        %sub3A_495 = arith.subf %get3A_494, %get3A_95 : f32
        %exp3A_496 = math.exp %sub3A_495 : f32
        %mul3A_497 = arith.mulf %exp3A_496, %div3A_99 : f32
        %get3A_498 = arith.constant 0 : index
        %get3A_499 = arith.constant 57344 : index
        %get3A_500 = vector.load %arg16[%get3A_498, %get3A_499] : memref<1x100000xf32, #tpu.memory_space<vmem>>, vector<1x2048xf32>
        %mul3A_501 = vector.broadcast %mul3A_497 : f32 to vector<1x2048xf32>
        %mul3A_502 = arith.mulf %get3A_500, %mul3A_501 : vector<1x2048xf32>
        %swap3A_503 = arith.constant 0 : index
        %swap3A_504 = arith.constant 57344 : index
        %swap3A_505 = vector.load %arg16[%swap3A_503, %swap3A_504] : memref<1x100000xf32, #tpu.memory_space<vmem>>, vector<1x2048xf32>
        tpu.vector_store %arg16[%swap3A_503, %swap3A_504], %mul3A_502 {strides = array<i32>} : memref<1x100000xf32, #tpu.memory_space<vmem>>, vector<1x2048xf32>,
        %get3A_506 = arith.constant 29 : index
        %get3A_507 = arith.constant 0 : index
        %get3A_508 = memref.load %arg22[%get3A_506, %get3A_507] : memref<49x1xf32, #tpu.memory_space<smem>>
        %sub3A_509 = arith.subf %get3A_508, %get3A_95 : f32
        %exp3A_510 = math.exp %sub3A_509 : f32
        %mul3A_511 = arith.mulf %exp3A_510, %div3A_99 : f32
        %get3A_512 = arith.constant 0 : index
        %get3A_513 = arith.constant 59392 : index
        %get3A_514 = vector.load %arg16[%get3A_512, %get3A_513] : memref<1x100000xf32, #tpu.memory_space<vmem>>, vector<1x2048xf32>
        %mul3A_515 = vector.broadcast %mul3A_511 : f32 to vector<1x2048xf32>
        %mul3A_516 = arith.mulf %get3A_514, %mul3A_515 : vector<1x2048xf32>
        %swap3A_517 = arith.constant 0 : index
        %swap3A_518 = arith.constant 59392 : index
        %swap3A_519 = vector.load %arg16[%swap3A_517, %swap3A_518] : memref<1x100000xf32, #tpu.memory_space<vmem>>, vector<1x2048xf32>
        tpu.vector_store %arg16[%swap3A_517, %swap3A_518], %mul3A_516 {strides = array<i32>} : memref<1x100000xf32, #tpu.memory_space<vmem>>, vector<1x2048xf32>,
        %get3A_520 = arith.constant 30 : index
        %get3A_521 = arith.constant 0 : index
        %get3A_522 = memref.load %arg22[%get3A_520, %get3A_521] : memref<49x1xf32, #tpu.memory_space<smem>>
        %sub3A_523 = arith.subf %get3A_522, %get3A_95 : f32
        %exp3A_524 = math.exp %sub3A_523 : f32
        %mul3A_525 = arith.mulf %exp3A_524, %div3A_99 : f32
        %get3A_526 = arith.constant 0 : index
        %get3A_527 = arith.constant 61440 : index
        %get3A_528 = vector.load %arg16[%get3A_526, %get3A_527] : memref<1x100000xf32, #tpu.memory_space<vmem>>, vector<1x2048xf32>
        %mul3A_529 = vector.broadcast %mul3A_525 : f32 to vector<1x2048xf32>
        %mul3A_530 = arith.mulf %get3A_528, %mul3A_529 : vector<1x2048xf32>
        %swap3A_531 = arith.constant 0 : index
        %swap3A_532 = arith.constant 61440 : index
        %swap3A_533 = vector.load %arg16[%swap3A_531, %swap3A_532] : memref<1x100000xf32, #tpu.memory_space<vmem>>, vector<1x2048xf32>
        tpu.vector_store %arg16[%swap3A_531, %swap3A_532], %mul3A_530 {strides = array<i32>} : memref<1x100000xf32, #tpu.memory_space<vmem>>, vector<1x2048xf32>,
        %get3A_534 = arith.constant 31 : index
        %get3A_535 = arith.constant 0 : index
        %get3A_536 = memref.load %arg22[%get3A_534, %get3A_535] : memref<49x1xf32, #tpu.memory_space<smem>>
        %sub3A_537 = arith.subf %get3A_536, %get3A_95 : f32
        %exp3A_538 = math.exp %sub3A_537 : f32
        %mul3A_539 = arith.mulf %exp3A_538, %div3A_99 : f32
        %get3A_540 = arith.constant 0 : index
        %get3A_541 = arith.constant 63488 : index
        %get3A_542 = vector.load %arg16[%get3A_540, %get3A_541] : memref<1x100000xf32, #tpu.memory_space<vmem>>, vector<1x2048xf32>
        %mul3A_543 = vector.broadcast %mul3A_539 : f32 to vector<1x2048xf32>
        %mul3A_544 = arith.mulf %get3A_542, %mul3A_543 : vector<1x2048xf32>
        %swap3A_545 = arith.constant 0 : index
        %swap3A_546 = arith.constant 63488 : index
        %swap3A_547 = vector.load %arg16[%swap3A_545, %swap3A_546] : memref<1x100000xf32, #tpu.memory_space<vmem>>, vector<1x2048xf32>
        tpu.vector_store %arg16[%swap3A_545, %swap3A_546], %mul3A_544 {strides = array<i32>} : memref<1x100000xf32, #tpu.memory_space<vmem>>, vector<1x2048xf32>,
        %get3A_548 = arith.constant 32 : index
        %get3A_549 = arith.constant 0 : index
        %get3A_550 = memref.load %arg22[%get3A_548, %get3A_549] : memref<49x1xf32, #tpu.memory_space<smem>>
        %sub3A_551 = arith.subf %get3A_550, %get3A_95 : f32
        %exp3A_552 = math.exp %sub3A_551 : f32
        %mul3A_553 = arith.mulf %exp3A_552, %div3A_99 : f32
        %get3A_554 = arith.constant 0 : index
        %get3A_555 = arith.constant 65536 : index
        %get3A_556 = vector.load %arg16[%get3A_554, %get3A_555] : memref<1x100000xf32, #tpu.memory_space<vmem>>, vector<1x2048xf32>
        %mul3A_557 = vector.broadcast %mul3A_553 : f32 to vector<1x2048xf32>
        %mul3A_558 = arith.mulf %get3A_556, %mul3A_557 : vector<1x2048xf32>
        %swap3A_559 = arith.constant 0 : index
        %swap3A_560 = arith.constant 65536 : index
        %swap3A_561 = vector.load %arg16[%swap3A_559, %swap3A_560] : memref<1x100000xf32, #tpu.memory_space<vmem>>, vector<1x2048xf32>
        tpu.vector_store %arg16[%swap3A_559, %swap3A_560], %mul3A_558 {strides = array<i32>} : memref<1x100000xf32, #tpu.memory_space<vmem>>, vector<1x2048xf32>,
        %get3A_562 = arith.constant 33 : index
        %get3A_563 = arith.constant 0 : index
        %get3A_564 = memref.load %arg22[%get3A_562, %get3A_563] : memref<49x1xf32, #tpu.memory_space<smem>>
        %sub3A_565 = arith.subf %get3A_564, %get3A_95 : f32
        %exp3A_566 = math.exp %sub3A_565 : f32
        %mul3A_567 = arith.mulf %exp3A_566, %div3A_99 : f32
        %get3A_568 = arith.constant 0 : index
        %get3A_569 = arith.constant 67584 : index
        %get3A_570 = vector.load %arg16[%get3A_568, %get3A_569] : memref<1x100000xf32, #tpu.memory_space<vmem>>, vector<1x2048xf32>
        %mul3A_571 = vector.broadcast %mul3A_567 : f32 to vector<1x2048xf32>
        %mul3A_572 = arith.mulf %get3A_570, %mul3A_571 : vector<1x2048xf32>
        %swap3A_573 = arith.constant 0 : index
        %swap3A_574 = arith.constant 67584 : index
        %swap3A_575 = vector.load %arg16[%swap3A_573, %swap3A_574] : memref<1x100000xf32, #tpu.memory_space<vmem>>, vector<1x2048xf32>
        tpu.vector_store %arg16[%swap3A_573, %swap3A_574], %mul3A_572 {strides = array<i32>} : memref<1x100000xf32, #tpu.memory_space<vmem>>, vector<1x2048xf32>,
        %get3A_576 = arith.constant 34 : index
        %get3A_577 = arith.constant 0 : index
        %get3A_578 = memref.load %arg22[%get3A_576, %get3A_577] : memref<49x1xf32, #tpu.memory_space<smem>>
        %sub3A_579 = arith.subf %get3A_578, %get3A_95 : f32
        %exp3A_580 = math.exp %sub3A_579 : f32
        %mul3A_581 = arith.mulf %exp3A_580, %div3A_99 : f32
        %get3A_582 = arith.constant 0 : index
        %get3A_583 = arith.constant 69632 : index
        %get3A_584 = vector.load %arg16[%get3A_582, %get3A_583] : memref<1x100000xf32, #tpu.memory_space<vmem>>, vector<1x2048xf32>
        %mul3A_585 = vector.broadcast %mul3A_581 : f32 to vector<1x2048xf32>
        %mul3A_586 = arith.mulf %get3A_584, %mul3A_585 : vector<1x2048xf32>
        %swap3A_587 = arith.constant 0 : index
        %swap3A_588 = arith.constant 69632 : index
        %swap3A_589 = vector.load %arg16[%swap3A_587, %swap3A_588] : memref<1x100000xf32, #tpu.memory_space<vmem>>, vector<1x2048xf32>
        tpu.vector_store %arg16[%swap3A_587, %swap3A_588], %mul3A_586 {strides = array<i32>} : memref<1x100000xf32, #tpu.memory_space<vmem>>, vector<1x2048xf32>,
        %get3A_590 = arith.constant 35 : index
        %get3A_591 = arith.constant 0 : index
        %get3A_592 = memref.load %arg22[%get3A_590, %get3A_591] : memref<49x1xf32, #tpu.memory_space<smem>>
        %sub3A_593 = arith.subf %get3A_592, %get3A_95 : f32
        %exp3A_594 = math.exp %sub3A_593 : f32
        %mul3A_595 = arith.mulf %exp3A_594, %div3A_99 : f32
        %get3A_596 = arith.constant 0 : index
        %get3A_597 = arith.constant 71680 : index
        %get3A_598 = vector.load %arg16[%get3A_596, %get3A_597] : memref<1x100000xf32, #tpu.memory_space<vmem>>, vector<1x2048xf32>
        %mul3A_599 = vector.broadcast %mul3A_595 : f32 to vector<1x2048xf32>
        %mul3A_600 = arith.mulf %get3A_598, %mul3A_599 : vector<1x2048xf32>
        %swap3A_601 = arith.constant 0 : index
        %swap3A_602 = arith.constant 71680 : index
        %swap3A_603 = vector.load %arg16[%swap3A_601, %swap3A_602] : memref<1x100000xf32, #tpu.memory_space<vmem>>, vector<1x2048xf32>
        tpu.vector_store %arg16[%swap3A_601, %swap3A_602], %mul3A_600 {strides = array<i32>} : memref<1x100000xf32, #tpu.memory_space<vmem>>, vector<1x2048xf32>,
        %get3A_604 = arith.constant 36 : index
        %get3A_605 = arith.constant 0 : index
        %get3A_606 = memref.load %arg22[%get3A_604, %get3A_605] : memref<49x1xf32, #tpu.memory_space<smem>>
        %sub3A_607 = arith.subf %get3A_606, %get3A_95 : f32
        %exp3A_608 = math.exp %sub3A_607 : f32
        %mul3A_609 = arith.mulf %exp3A_608, %div3A_99 : f32
        %get3A_610 = arith.constant 0 : index
        %get3A_611 = arith.constant 73728 : index
        %get3A_612 = vector.load %arg16[%get3A_610, %get3A_611] : memref<1x100000xf32, #tpu.memory_space<vmem>>, vector<1x2048xf32>
        %mul3A_613 = vector.broadcast %mul3A_609 : f32 to vector<1x2048xf32>
        %mul3A_614 = arith.mulf %get3A_612, %mul3A_613 : vector<1x2048xf32>
        %swap3A_615 = arith.constant 0 : index
        %swap3A_616 = arith.constant 73728 : index
        %swap3A_617 = vector.load %arg16[%swap3A_615, %swap3A_616] : memref<1x100000xf32, #tpu.memory_space<vmem>>, vector<1x2048xf32>
        tpu.vector_store %arg16[%swap3A_615, %swap3A_616], %mul3A_614 {strides = array<i32>} : memref<1x100000xf32, #tpu.memory_space<vmem>>, vector<1x2048xf32>,
        %get3A_618 = arith.constant 37 : index
        %get3A_619 = arith.constant 0 : index
        %get3A_620 = memref.load %arg22[%get3A_618, %get3A_619] : memref<49x1xf32, #tpu.memory_space<smem>>
        %sub3A_621 = arith.subf %get3A_620, %get3A_95 : f32
        %exp3A_622 = math.exp %sub3A_621 : f32
        %mul3A_623 = arith.mulf %exp3A_622, %div3A_99 : f32
        %get3A_624 = arith.constant 0 : index
        %get3A_625 = arith.constant 75776 : index
        %get3A_626 = vector.load %arg16[%get3A_624, %get3A_625] : memref<1x100000xf32, #tpu.memory_space<vmem>>, vector<1x2048xf32>
        %mul3A_627 = vector.broadcast %mul3A_623 : f32 to vector<1x2048xf32>
        %mul3A_628 = arith.mulf %get3A_626, %mul3A_627 : vector<1x2048xf32>
        %swap3A_629 = arith.constant 0 : index
        %swap3A_630 = arith.constant 75776 : index
        %swap3A_631 = vector.load %arg16[%swap3A_629, %swap3A_630] : memref<1x100000xf32, #tpu.memory_space<vmem>>, vector<1x2048xf32>
        tpu.vector_store %arg16[%swap3A_629, %swap3A_630], %mul3A_628 {strides = array<i32>} : memref<1x100000xf32, #tpu.memory_space<vmem>>, vector<1x2048xf32>,
        %get3A_632 = arith.constant 38 : index
        %get3A_633 = arith.constant 0 : index
        %get3A_634 = memref.load %arg22[%get3A_632, %get3A_633] : memref<49x1xf32, #tpu.memory_space<smem>>
        %sub3A_635 = arith.subf %get3A_634, %get3A_95 : f32
        %exp3A_636 = math.exp %sub3A_635 : f32
        %mul3A_637 = arith.mulf %exp3A_636, %div3A_99 : f32
        %get3A_638 = arith.constant 0 : index
        %get3A_639 = arith.constant 77824 : index
        %get3A_640 = vector.load %arg16[%get3A_638, %get3A_639] : memref<1x100000xf32, #tpu.memory_space<vmem>>, vector<1x2048xf32>
        %mul3A_641 = vector.broadcast %mul3A_637 : f32 to vector<1x2048xf32>
        %mul3A_642 = arith.mulf %get3A_640, %mul3A_641 : vector<1x2048xf32>
        %swap3A_643 = arith.constant 0 : index
        %swap3A_644 = arith.constant 77824 : index
        %swap3A_645 = vector.load %arg16[%swap3A_643, %swap3A_644] : memref<1x100000xf32, #tpu.memory_space<vmem>>, vector<1x2048xf32>
        tpu.vector_store %arg16[%swap3A_643, %swap3A_644], %mul3A_642 {strides = array<i32>} : memref<1x100000xf32, #tpu.memory_space<vmem>>, vector<1x2048xf32>,
        %get3A_646 = arith.constant 39 : index
        %get3A_647 = arith.constant 0 : index
        %get3A_648 = memref.load %arg22[%get3A_646, %get3A_647] : memref<49x1xf32, #tpu.memory_space<smem>>
        %sub3A_649 = arith.subf %get3A_648, %get3A_95 : f32
        %exp3A_650 = math.exp %sub3A_649 : f32
        %mul3A_651 = arith.mulf %exp3A_650, %div3A_99 : f32
        %get3A_652 = arith.constant 0 : index
        %get3A_653 = arith.constant 79872 : index
        %get3A_654 = vector.load %arg16[%get3A_652, %get3A_653] : memref<1x100000xf32, #tpu.memory_space<vmem>>, vector<1x2048xf32>
        %mul3A_655 = vector.broadcast %mul3A_651 : f32 to vector<1x2048xf32>
        %mul3A_656 = arith.mulf %get3A_654, %mul3A_655 : vector<1x2048xf32>
        %swap3A_657 = arith.constant 0 : index
        %swap3A_658 = arith.constant 79872 : index
        %swap3A_659 = vector.load %arg16[%swap3A_657, %swap3A_658] : memref<1x100000xf32, #tpu.memory_space<vmem>>, vector<1x2048xf32>
        tpu.vector_store %arg16[%swap3A_657, %swap3A_658], %mul3A_656 {strides = array<i32>} : memref<1x100000xf32, #tpu.memory_space<vmem>>, vector<1x2048xf32>,
        %get3A_660 = arith.constant 40 : index
        %get3A_661 = arith.constant 0 : index
        %get3A_662 = memref.load %arg22[%get3A_660, %get3A_661] : memref<49x1xf32, #tpu.memory_space<smem>>
        %sub3A_663 = arith.subf %get3A_662, %get3A_95 : f32
        %exp3A_664 = math.exp %sub3A_663 : f32
        %mul3A_665 = arith.mulf %exp3A_664, %div3A_99 : f32
        %get3A_666 = arith.constant 0 : index
        %get3A_667 = arith.constant 81920 : index
        %get3A_668 = vector.load %arg16[%get3A_666, %get3A_667] : memref<1x100000xf32, #tpu.memory_space<vmem>>, vector<1x2048xf32>
        %mul3A_669 = vector.broadcast %mul3A_665 : f32 to vector<1x2048xf32>
        %mul3A_670 = arith.mulf %get3A_668, %mul3A_669 : vector<1x2048xf32>
        %swap3A_671 = arith.constant 0 : index
        %swap3A_672 = arith.constant 81920 : index
        %swap3A_673 = vector.load %arg16[%swap3A_671, %swap3A_672] : memref<1x100000xf32, #tpu.memory_space<vmem>>, vector<1x2048xf32>
        tpu.vector_store %arg16[%swap3A_671, %swap3A_672], %mul3A_670 {strides = array<i32>} : memref<1x100000xf32, #tpu.memory_space<vmem>>, vector<1x2048xf32>,
        %get3A_674 = arith.constant 41 : index
        %get3A_675 = arith.constant 0 : index
        %get3A_676 = memref.load %arg22[%get3A_674, %get3A_675] : memref<49x1xf32, #tpu.memory_space<smem>>
        %sub3A_677 = arith.subf %get3A_676, %get3A_95 : f32
        %exp3A_678 = math.exp %sub3A_677 : f32
        %mul3A_679 = arith.mulf %exp3A_678, %div3A_99 : f32
        %get3A_680 = arith.constant 0 : index
        %get3A_681 = arith.constant 83968 : index
        %get3A_682 = vector.load %arg16[%get3A_680, %get3A_681] : memref<1x100000xf32, #tpu.memory_space<vmem>>, vector<1x2048xf32>
        %mul3A_683 = vector.broadcast %mul3A_679 : f32 to vector<1x2048xf32>
        %mul3A_684 = arith.mulf %get3A_682, %mul3A_683 : vector<1x2048xf32>
        %swap3A_685 = arith.constant 0 : index
        %swap3A_686 = arith.constant 83968 : index
        %swap3A_687 = vector.load %arg16[%swap3A_685, %swap3A_686] : memref<1x100000xf32, #tpu.memory_space<vmem>>, vector<1x2048xf32>
        tpu.vector_store %arg16[%swap3A_685, %swap3A_686], %mul3A_684 {strides = array<i32>} : memref<1x100000xf32, #tpu.memory_space<vmem>>, vector<1x2048xf32>,
        %get3A_688 = arith.constant 42 : index
        %get3A_689 = arith.constant 0 : index
        %get3A_690 = memref.load %arg22[%get3A_688, %get3A_689] : memref<49x1xf32, #tpu.memory_space<smem>>
        %sub3A_691 = arith.subf %get3A_690, %get3A_95 : f32
        %exp3A_692 = math.exp %sub3A_691 : f32
        %mul3A_693 = arith.mulf %exp3A_692, %div3A_99 : f32
        %get3A_694 = arith.constant 0 : index
        %get3A_695 = arith.constant 86016 : index
        %get3A_696 = vector.load %arg16[%get3A_694, %get3A_695] : memref<1x100000xf32, #tpu.memory_space<vmem>>, vector<1x2048xf32>
        %mul3A_697 = vector.broadcast %mul3A_693 : f32 to vector<1x2048xf32>
        %mul3A_698 = arith.mulf %get3A_696, %mul3A_697 : vector<1x2048xf32>
        %swap3A_699 = arith.constant 0 : index
        %swap3A_700 = arith.constant 86016 : index
        %swap3A_701 = vector.load %arg16[%swap3A_699, %swap3A_700] : memref<1x100000xf32, #tpu.memory_space<vmem>>, vector<1x2048xf32>
        tpu.vector_store %arg16[%swap3A_699, %swap3A_700], %mul3A_698 {strides = array<i32>} : memref<1x100000xf32, #tpu.memory_space<vmem>>, vector<1x2048xf32>,
        %get3A_702 = arith.constant 43 : index
        %get3A_703 = arith.constant 0 : index
        %get3A_704 = memref.load %arg22[%get3A_702, %get3A_703] : memref<49x1xf32, #tpu.memory_space<smem>>
        %sub3A_705 = arith.subf %get3A_704, %get3A_95 : f32
        %exp3A_706 = math.exp %sub3A_705 : f32
        %mul3A_707 = arith.mulf %exp3A_706, %div3A_99 : f32
        %get3A_708 = arith.constant 0 : index
        %get3A_709 = arith.constant 88064 : index
        %get3A_710 = vector.load %arg16[%get3A_708, %get3A_709] : memref<1x100000xf32, #tpu.memory_space<vmem>>, vector<1x2048xf32>
        %mul3A_711 = vector.broadcast %mul3A_707 : f32 to vector<1x2048xf32>
        %mul3A_712 = arith.mulf %get3A_710, %mul3A_711 : vector<1x2048xf32>
        %swap3A_713 = arith.constant 0 : index
        %swap3A_714 = arith.constant 88064 : index
        %swap3A_715 = vector.load %arg16[%swap3A_713, %swap3A_714] : memref<1x100000xf32, #tpu.memory_space<vmem>>, vector<1x2048xf32>
        tpu.vector_store %arg16[%swap3A_713, %swap3A_714], %mul3A_712 {strides = array<i32>} : memref<1x100000xf32, #tpu.memory_space<vmem>>, vector<1x2048xf32>,
        %get3A_716 = arith.constant 44 : index
        %get3A_717 = arith.constant 0 : index
        %get3A_718 = memref.load %arg22[%get3A_716, %get3A_717] : memref<49x1xf32, #tpu.memory_space<smem>>
        %sub3A_719 = arith.subf %get3A_718, %get3A_95 : f32
        %exp3A_720 = math.exp %sub3A_719 : f32
        %mul3A_721 = arith.mulf %exp3A_720, %div3A_99 : f32
        %get3A_722 = arith.constant 0 : index
        %get3A_723 = arith.constant 90112 : index
        %get3A_724 = vector.load %arg16[%get3A_722, %get3A_723] : memref<1x100000xf32, #tpu.memory_space<vmem>>, vector<1x2048xf32>
        %mul3A_725 = vector.broadcast %mul3A_721 : f32 to vector<1x2048xf32>
        %mul3A_726 = arith.mulf %get3A_724, %mul3A_725 : vector<1x2048xf32>
        %swap3A_727 = arith.constant 0 : index
        %swap3A_728 = arith.constant 90112 : index
        %swap3A_729 = vector.load %arg16[%swap3A_727, %swap3A_728] : memref<1x100000xf32, #tpu.memory_space<vmem>>, vector<1x2048xf32>
        tpu.vector_store %arg16[%swap3A_727, %swap3A_728], %mul3A_726 {strides = array<i32>} : memref<1x100000xf32, #tpu.memory_space<vmem>>, vector<1x2048xf32>,
        %get3A_730 = arith.constant 45 : index
        %get3A_731 = arith.constant 0 : index
        %get3A_732 = memref.load %arg22[%get3A_730, %get3A_731] : memref<49x1xf32, #tpu.memory_space<smem>>
        %sub3A_733 = arith.subf %get3A_732, %get3A_95 : f32
        %exp3A_734 = math.exp %sub3A_733 : f32
        %mul3A_735 = arith.mulf %exp3A_734, %div3A_99 : f32
        %get3A_736 = arith.constant 0 : index
        %get3A_737 = arith.constant 92160 : index
        %get3A_738 = vector.load %arg16[%get3A_736, %get3A_737] : memref<1x100000xf32, #tpu.memory_space<vmem>>, vector<1x2048xf32>
        %mul3A_739 = vector.broadcast %mul3A_735 : f32 to vector<1x2048xf32>
        %mul3A_740 = arith.mulf %get3A_738, %mul3A_739 : vector<1x2048xf32>
        %swap3A_741 = arith.constant 0 : index
        %swap3A_742 = arith.constant 92160 : index
        %swap3A_743 = vector.load %arg16[%swap3A_741, %swap3A_742] : memref<1x100000xf32, #tpu.memory_space<vmem>>, vector<1x2048xf32>
        tpu.vector_store %arg16[%swap3A_741, %swap3A_742], %mul3A_740 {strides = array<i32>} : memref<1x100000xf32, #tpu.memory_space<vmem>>, vector<1x2048xf32>,
        %get3A_744 = arith.constant 46 : index
        %get3A_745 = arith.constant 0 : index
        %get3A_746 = memref.load %arg22[%get3A_744, %get3A_745] : memref<49x1xf32, #tpu.memory_space<smem>>
        %sub3A_747 = arith.subf %get3A_746, %get3A_95 : f32
        %exp3A_748 = math.exp %sub3A_747 : f32
        %mul3A_749 = arith.mulf %exp3A_748, %div3A_99 : f32
        %get3A_750 = arith.constant 0 : index
        %get3A_751 = arith.constant 94208 : index
        %get3A_752 = vector.load %arg16[%get3A_750, %get3A_751] : memref<1x100000xf32, #tpu.memory_space<vmem>>, vector<1x2048xf32>
        %mul3A_753 = vector.broadcast %mul3A_749 : f32 to vector<1x2048xf32>
        %mul3A_754 = arith.mulf %get3A_752, %mul3A_753 : vector<1x2048xf32>
        %swap3A_755 = arith.constant 0 : index
        %swap3A_756 = arith.constant 94208 : index
        %swap3A_757 = vector.load %arg16[%swap3A_755, %swap3A_756] : memref<1x100000xf32, #tpu.memory_space<vmem>>, vector<1x2048xf32>
        tpu.vector_store %arg16[%swap3A_755, %swap3A_756], %mul3A_754 {strides = array<i32>} : memref<1x100000xf32, #tpu.memory_space<vmem>>, vector<1x2048xf32>,
        %get3A_758 = arith.constant 47 : index
        %get3A_759 = arith.constant 0 : index
        %get3A_760 = memref.load %arg22[%get3A_758, %get3A_759] : memref<49x1xf32, #tpu.memory_space<smem>>
        %sub3A_761 = arith.subf %get3A_760, %get3A_95 : f32
        %exp3A_762 = math.exp %sub3A_761 : f32
        %mul3A_763 = arith.mulf %exp3A_762, %div3A_99 : f32
        %get3A_764 = arith.constant 0 : index
        %get3A_765 = arith.constant 96256 : index
        %get3A_766 = vector.load %arg16[%get3A_764, %get3A_765] : memref<1x100000xf32, #tpu.memory_space<vmem>>, vector<1x2048xf32>
        %mul3A_767 = vector.broadcast %mul3A_763 : f32 to vector<1x2048xf32>
        %mul3A_768 = arith.mulf %get3A_766, %mul3A_767 : vector<1x2048xf32>
        %swap3A_769 = arith.constant 0 : index
        %swap3A_770 = arith.constant 96256 : index
        %swap3A_771 = vector.load %arg16[%swap3A_769, %swap3A_770] : memref<1x100000xf32, #tpu.memory_space<vmem>>, vector<1x2048xf32>
        tpu.vector_store %arg16[%swap3A_769, %swap3A_770], %mul3A_768 {strides = array<i32>} : memref<1x100000xf32, #tpu.memory_space<vmem>>, vector<1x2048xf32>,
        %get3A_772 = arith.constant 48 : index
        %get3A_773 = arith.constant 0 : index
        %get3A_774 = memref.load %arg22[%get3A_772, %get3A_773] : memref<49x1xf32, #tpu.memory_space<smem>>
        %sub3A_775 = arith.subf %get3A_774, %get3A_95 : f32
        %exp3A_776 = math.exp %sub3A_775 : f32
        %mul3A_777 = arith.mulf %exp3A_776, %div3A_99 : f32
        %get3A_778 = arith.constant 0 : index
        %get3A_779 = arith.constant 98304 : index
        %get3A_780 = vector.load %arg16[%get3A_778, %get3A_779] : memref<1x100000xf32, #tpu.memory_space<vmem>>, vector<1x1696xf32>
        %mul3A_781 = vector.broadcast %mul3A_777 : f32 to vector<1x1696xf32>
        %mul3A_782 = arith.mulf %get3A_780, %mul3A_781 : vector<1x1696xf32>
        %swap3A_783 = arith.constant 0 : index
        %swap3A_784 = arith.constant 98304 : index
        %swap3A_785 = vector.load %arg16[%swap3A_783, %swap3A_784] : memref<1x100000xf32, #tpu.memory_space<vmem>>, vector<1x1696xf32>
        tpu.vector_store %arg16[%swap3A_783, %swap3A_784], %mul3A_782 {strides = array<i32>} : memref<1x100000xf32, #tpu.memory_space<vmem>>, vector<1x1696xf32>,
      } else {
      }
    } else {
    }
    return
  }
  func.func @transform_0(%arg0: i32) -> (i32, i32) {
    %c0_i32 = arith.constant 0 : i32
    %c0_i32_0 = arith.constant 0 : i32
    %c0_i32_1 = arith.constant 0 : i32
    return %c0_i32, %c0_i32_0 : i32, i32
  }
  func.func @transform_2(%arg0: i32) -> (i32, i32) {
    %c0_i32 = arith.constant 0 : i32
    %c0_i32_0 = arith.constant 0 : i32
    %c0_i32_1 = arith.constant 0 : i32
    return %c0_i32, %c0_i32_0 : i32, i32
  }
  func.func @transform_3(%arg0: i32) -> (i32, i32) {
    %sub3A = arith.constant 4 : i32
    %sub3A_0 = arith.subi %arg0, %sub3A : i32
    %jit3A = arith.constant 0 : i32
    %jit3A_1 = arith.constant 8 : i32
    %max3A = arith.maxsi %jit3A, %sub3A_0 : i32
    %min3A = arith.minsi %jit3A_1, %max3A : i32
    %add3A = arith.constant 0 : i32
    %add3A_2 = arith.addi %add3A, %min3A : i32
    %c0_i32 = arith.constant 0 : i32
    %c0_i32_3 = arith.constant 0 : i32
    return %add3A_2, %c0_i32 : i32, i32
  }
  func.func @transform_4(%arg0: i32) -> (i32, i32) {
    %sub3A = arith.constant 4 : i32
    %sub3A_0 = arith.subi %arg0, %sub3A : i32
    %jit3A = arith.constant 0 : i32
    %jit3A_1 = arith.constant 7 : i32
    %max3A = arith.maxsi %jit3A, %sub3A_0 : i32
    %min3A = arith.minsi %jit3A_1, %max3A : i32
    %add3A = arith.constant 9 : i32
    %add3A_2 = arith.addi %add3A, %min3A : i32
    %c0_i32 = arith.constant 0 : i32
    %c0_i32_3 = arith.constant 0 : i32
    return %add3A_2, %c0_i32 : i32, i32
  }
  func.func @transform_5(%arg0: i32) -> (i32, i32) {
    %sub3A = arith.constant 4 : i32
    %sub3A_0 = arith.subi %arg0, %sub3A : i32
    %jit3A = arith.constant 0 : i32
    %jit3A_1 = arith.constant 7 : i32
    %max3A = arith.maxsi %jit3A, %sub3A_0 : i32
    %min3A = arith.minsi %jit3A_1, %max3A : i32
    %add3A = arith.constant 17 : i32
    %add3A_2 = arith.addi %add3A, %min3A : i32
    %c0_i32 = arith.constant 0 : i32
    %c0_i32_3 = arith.constant 0 : i32
    return %add3A_2, %c0_i32 : i32, i32
  }
  func.func @transform_6(%arg0: i32) -> (i32, i32) {
    %sub3A = arith.constant 4 : i32
    %sub3A_0 = arith.subi %arg0, %sub3A : i32
    %jit3A = arith.constant 0 : i32
    %jit3A_1 = arith.constant 7 : i32
    %max3A = arith.maxsi %jit3A, %sub3A_0 : i32
    %min3A = arith.minsi %jit3A_1, %max3A : i32
    %add3A = arith.constant 25 : i32
    %add3A_2 = arith.addi %add3A, %min3A : i32
    %c0_i32 = arith.constant 0 : i32
    %c0_i32_3 = arith.constant 0 : i32
    return %add3A_2, %c0_i32 : i32, i32
  }
  func.func @transform_7(%arg0: i32) -> (i32, i32) {
    %sub3A = arith.constant 4 : i32
    %sub3A_0 = arith.subi %arg0, %sub3A : i32
    %jit3A = arith.constant 0 : i32
    %jit3A_1 = arith.constant 7 : i32
    %max3A = arith.maxsi %jit3A, %sub3A_0 : i32
    %min3A = arith.minsi %jit3A_1, %max3A : i32
    %add3A = arith.constant 33 : i32
    %add3A_2 = arith.addi %add3A, %min3A : i32
    %c0_i32 = arith.constant 0 : i32
    %c0_i32_3 = arith.constant 0 : i32
    return %add3A_2, %c0_i32 : i32, i32
  }
  func.func @transform_8(%arg0: i32) -> (i32, i32) {
    %sub3A = arith.constant 4 : i32
    %sub3A_0 = arith.subi %arg0, %sub3A : i32
    %jit3A = arith.constant 0 : i32
    %jit3A_1 = arith.constant 7 : i32
    %max3A = arith.maxsi %jit3A, %sub3A_0 : i32
    %min3A = arith.minsi %jit3A_1, %max3A : i32
    %add3A = arith.constant 41 : i32
    %add3A_2 = arith.addi %add3A, %min3A : i32
    %c0_i32 = arith.constant 0 : i32
    %c0_i32_3 = arith.constant 0 : i32
    return %add3A_2, %c0_i32 : i32, i32
  }
  func.func @transform_9(%arg0: i32) -> i32 {
    %sub3A = arith.constant 4 : i32
    %sub3A_0 = arith.subi %arg0, %sub3A : i32
    %jit3A = arith.constant 0 : i32
    %jit3A_1 = arith.constant 8 : i32
    %max3A = arith.maxsi %jit3A, %sub3A_0 : i32
    %min3A = arith.minsi %jit3A_1, %max3A : i32
    %add3A = arith.constant 0 : i32
    %add3A_2 = arith.addi %add3A, %min3A : i32
    %c0_i32 = arith.constant 0 : i32
    return %add3A_2 : i32
  }
  func.func @transform_10(%arg0: i32) -> i32 {
    %sub3A = arith.constant 4 : i32
    %sub3A_0 = arith.subi %arg0, %sub3A : i32
    %jit3A = arith.constant 0 : i32
    %jit3A_1 = arith.constant 7 : i32
    %max3A = arith.maxsi %jit3A, %sub3A_0 : i32
    %min3A = arith.minsi %jit3A_1, %max3A : i32
    %add3A = arith.constant 9 : i32
    %add3A_2 = arith.addi %add3A, %min3A : i32
    %c0_i32 = arith.constant 0 : i32
    return %add3A_2 : i32
  }
  func.func @transform_11(%arg0: i32) -> i32 {
    %sub3A = arith.constant 4 : i32
    %sub3A_0 = arith.subi %arg0, %sub3A : i32
    %jit3A = arith.constant 0 : i32
    %jit3A_1 = arith.constant 7 : i32
    %max3A = arith.maxsi %jit3A, %sub3A_0 : i32
    %min3A = arith.minsi %jit3A_1, %max3A : i32
    %add3A = arith.constant 17 : i32
    %add3A_2 = arith.addi %add3A, %min3A : i32
    %c0_i32 = arith.constant 0 : i32
    return %add3A_2 : i32
  }
  func.func @transform_12(%arg0: i32) -> i32 {
    %sub3A = arith.constant 4 : i32
    %sub3A_0 = arith.subi %arg0, %sub3A : i32
    %jit3A = arith.constant 0 : i32
    %jit3A_1 = arith.constant 7 : i32
    %max3A = arith.maxsi %jit3A, %sub3A_0 : i32
    %min3A = arith.minsi %jit3A_1, %max3A : i32
    %add3A = arith.constant 25 : i32
    %add3A_2 = arith.addi %add3A, %min3A : i32
    %c0_i32 = arith.constant 0 : i32
    return %add3A_2 : i32
  }
  func.func @transform_13(%arg0: i32) -> i32 {
    %sub3A = arith.constant 4 : i32
    %sub3A_0 = arith.subi %arg0, %sub3A : i32
    %jit3A = arith.constant 0 : i32
    %jit3A_1 = arith.constant 7 : i32
    %max3A = arith.maxsi %jit3A, %sub3A_0 : i32
    %min3A = arith.minsi %jit3A_1, %max3A : i32
    %add3A = arith.constant 33 : i32
    %add3A_2 = arith.addi %add3A, %min3A : i32
    %c0_i32 = arith.constant 0 : i32
    return %add3A_2 : i32
  }
  func.func @transform_14(%arg0: i32) -> i32 {
    %sub3A = arith.constant 4 : i32
    %sub3A_0 = arith.subi %arg0, %sub3A : i32
    %jit3A = arith.constant 0 : i32
    %jit3A_1 = arith.constant 7 : i32
    %max3A = arith.maxsi %jit3A, %sub3A_0 : i32
    %min3A = arith.minsi %jit3A_1, %max3A : i32
    %add3A = arith.constant 41 : i32
    %add3A_2 = arith.addi %add3A, %min3A : i32
    %c0_i32 = arith.constant 0 : i32
    return %add3A_2 : i32
  }
  func.func @transform_15(%arg0: i32) -> (i32, i32) {
    %c0_i32 = arith.constant 0 : i32
    %c0_i32_0 = arith.constant 0 : i32
    %c0_i32_1 = arith.constant 0 : i32
    return %c0_i32, %c0_i32_0 : i32, i32
  }
}

</mosaic_0001>

<sc_bundles>
// kernel: kernel.4.cloned.1.call-start
scs
__scs_entry_jumppad:
0x0: {  	(pc) =	sbr.rel $0x88, $3  }
0x1: {  	(tag) =	ssettag $0x0;
	lr =	simm.s32 $0x1  }
0x2: {  	[smem:$0x3F9B] =	sst lr;
	_ =	strace $0xD0000000  }
0x3: {  	_ = 	snop  }
0x4: {  	_ = 	snop  }
0x5: {  	_ = 	snop  }
0x6: {  	_ = 	snop  }
0x7: {  	_ = 	snop  }
__scs_overlays_trampoline_lowered:
0x8: {  	[smem:$0x3FAA] =	sst s0  }
0x9: {  	[smem:$0x3FAB] =	sst s1  }
0xa: {  	[smem:$0x3FAC] =	sst s2  }
0xb: {  	[smem:$0x3FAD] =	sst s3  }
0xc: {  	[smem:$0x3FAE] =	sst s4  }
0xd: {  	[smem:$0x3FAF] =	sst s5  }
0xe: {  	[smem:$0x3FB0] =	sst s6  }
0xf: {  	[smem:$0x3FB1] =	sst s7  }
0x10: {  	[smem:$0x3FB2] =	sst s8  }
0x11: {  	[smem:$0x3FB3] =	sst s9;
	s0 =	simm.s32 @!p0 $0x0  }
0x12: {  	s1 =	sld [smem:$0x3F99];
	s0 =	simm.s32 @p0 $0x1  }
0x13: {  	[smem:$0x3FB4] =	sst s0;
	s0 =	simm.s32 @!p1 $0x0  }
0x14: {  	s2 =	sld [smem:$0x3F98];
	s0 =	simm.s32 @p1 $0x1  }
0x15: {  	[smem:$0x3FB5] =	sst s0;
	s0 =	simm.s32 @!p2 $0x0  }
0x16: {  	s3 =	sld [smem:$0x3FDB];
	s0 =	simm.s32 @p2 $0x1  }
0x17: {  	s4 =	simm.s32 $0x1BF5;
	[smem:$0x3FB7] =	sst s0  }
0x18: {  	s0 =	sld [smem:$0x3F9A];
	_ =	swait.ge [sflag:s4], $0x0  }
0x19: {  	s7 =	sld [smem:$0x3F9B]  }
0x1a: {  	s8 =	sadd.s32 $0xFFFFE003, lr  }
0x1b: {  	s9 =	sadd.s32 $0xFFFFFEF7, lr;
	s5 =	simm.s32 $0xFFFFFFFF;
	p2 =	slt.u32 s8, $0xFFFFF086  }
0x1c: {  	p1 =	slt.u32 s9, $0xF7A;
	s5 =	simm.s32 @!p2 $0x0  }
0x1d: {  	s5 =	simm.s32 @p1 $0x1;
	p0 =	seq.s32 s7, s2  }
0x1e: {  	s7 =	smul.u32 @!p0 $0xF7A, s2;
	p2 =	seq.s32 @!p0 s5, $0x0  }
0x1f: {  	s9 =	smul.u32 $0xF7A, s1;
	s8 =	simm.s32 @!p0 $0x1BF5;
	p2 =	por !p2, p0  }
0x20: {  	[sflag:s8] =	ssyncset.s32 @!p0 $0xFFFFF086;
	s6 =	sadd.s32 @!p0 s3, s7;
	s7 =	simm.s32 @!p0 $0x108  }
0x21: {  	s3 =	sadd.s32 s3, s9;
	s6 =	sadd.s32 @!p0 $0x88, s6;
	s7 =	simm.s32 @p2 $0x1082  }
0x22: {  	[simem:s7], [sflag:s8] =	dma.local @!p0 [hbm:s6], $0xF7A  }
0x23: {  	s9 =	sor.u32 $0xD0000000, s2;
	s6 =	simm.s32 $0x108;
	_ =	swait.ge @!p0 [sflag:s8], $0x0  }
0x24: {  	s3 =	sadd.s32 $0x88, s3;
	s6 =	simm.s32 @!p1 $0x1082;
	[sflag:s4] =	ssyncset.s32 $0xFFFFF086  }
0x25: {  	[simem:s6], [sflag:s4] =	dma.local [hbm:s3], $0xF7A  }
0x26: {  	[smem:$0x3F9B] =	sst s1;
	(tag) =	ssettag s2;
	_ =	strace s9  }
0x27: {  	s1 =	sld [smem:$0x3FAB]  }
0x28: {  	s2 =	sld [smem:$0x3FAC]  }
0x29: {  	s4 =	sld [smem:$0x3FAE]  }
0x2a: {  	p0 =	seq.s32 s5, $0x0;
	s5 =	sld [smem:$0x3FAF]  }
0x2b: {  	s6 =	sld [smem:$0x3FB0]  }
0x2c: {  	s7 =	sld [smem:$0x3FB1]  }
0x2d: {  	s3 =	simm.s32 $0x108;
	s8 =	sld [smem:$0x3FB2]  }
0x2e: {  	s3 =	simm.s32 @!p0 $0x1082;
	s9 =	sld [smem:$0x3FB3]  }
0x2f: {  	lr =	sadd.s32 s0, s3;
	s0 =	sld [smem:$0x3FAA]  }
0x30: {  	s3 =	sld [smem:$0x3FAD]  }
0x31: {  	[smem:$0x3FB6] =	sst s10  }
0x32: {  	s10 =	sld [smem:$0x3FB4];
	_ =	sdelay $0x3  }
0x33: {  	p0 =	seq.s32 s10, $0x1;
	s10 =	sld [smem:$0x3FB6];
	_ =	sdelay $0x3  }
0x34: {  	[smem:$0x3FB6] =	sst s10  }
0x35: {  	s10 =	sld [smem:$0x3FB5];
	_ =	sdelay $0x3  }
0x36: {  	p1 =	seq.s32 s10, $0x1;
	s10 =	sld [smem:$0x3FB6];
	_ =	sdelay $0x3  }
0x37: {  	[smem:$0x3FB6] =	sst s10  }
0x38: {  	s10 =	sld [smem:$0x3FB7]  }
0x39: {  	_ = 	snop;
	(pc) =	sbr.ind lr, $3  }
0x3a: {  	_ = 	snop  }
0x3b: {  	_ = 	snop  }
0x3c: {  	p2 =	seq.s32 s10, $0x1;
	s10 =	sld [smem:$0x3FB6]  }
0x3d: {  	_ =	shalt  }
0x3e: {  	_ =	shalt  }
0x3f: {  	_ =	shalt  }
0x40: {  	_ =	shalt  }
0x41: {  	_ =	shalt  }
0x42: {  	_ =	shalt  }
0x43: {  	_ =	shalt  }
0x44: {  	_ =	shalt  }
0x45: {  	_ =	shalt  }
0x46: {  	_ =	shalt  }
0x47: {  	_ =	shalt  }
0x48: {  	_ =	shalt  }
0x49: {  	_ =	shalt  }
0x4a: {  	_ =	shalt  }
0x4b: {  	_ =	shalt  }
0x4c: {  	_ =	shalt  }
0x4d: {  	_ =	shalt  }
0x4e: {  	_ =	shalt  }
0x4f: {  	_ =	shalt  }
0x50: {  	_ =	shalt  }
0x51: {  	_ =	shalt  }
0x52: {  	_ =	shalt  }
0x53: {  	_ =	shalt  }
0x54: {  	_ =	shalt  }
0x55: {  	_ =	shalt  }
0x56: {  	_ =	shalt  }
0x57: {  	_ =	shalt  }
0x58: {  	_ =	shalt  }
0x59: {  	_ =	shalt  }
0x5a: {  	_ =	shalt  }
0x5b: {  	_ =	shalt  }
0x5c: {  	_ =	shalt  }
0x5d: {  	_ =	shalt  }
0x5e: {  	_ =	shalt  }
0x5f: {  	_ =	shalt  }
0x60: {  	_ =	shalt  }
0x61: {  	_ =	shalt  }
0x62: {  	_ =	shalt  }
0x63: {  	_ =	shalt  }
0x64: {  	_ =	shalt  }
0x65: {  	_ =	shalt  }
0x66: {  	_ =	shalt  }
0x67: {  	_ =	shalt  }
0x68: {  	_ =	shalt  }
0x69: {  	_ =	shalt  }
0x6a: {  	_ =	shalt  }
0x6b: {  	_ =	shalt  }
0x6c: {  	_ =	shalt  }
0x6d: {  	_ =	shalt  }
0x6e: {  	_ =	shalt  }
0x6f: {  	_ =	shalt  }
0x70: {  	_ =	shalt  }
0x71: {  	_ =	shalt  }
0x72: {  	_ =	shalt  }
0x73: {  	_ =	shalt  }
0x74: {  	_ =	shalt  }
0x75: {  	_ =	shalt  }
0x76: {  	_ =	shalt  }
0x77: {  	_ =	shalt  }
0x78: {  	_ =	shalt  }
0x79: {  	_ =	shalt  }
0x7a: {  	_ =	shalt  }
0x7b: {  	_ =	shalt  }
0x7c: {  	_ =	shalt  }
0x7d: {  	_ =	shalt  }
0x7e: {  	_ =	shalt  }
0x7f: {  	_ =	shalt  }
0x80: {  	_ =	shalt  }
0x81: {  	_ =	shalt  }
0x82: {  	_ =	shalt  }
0x83: {  	_ =	shalt  }
0x84: {  	_ =	shalt  }
0x85: {  	_ =	shalt  }
0x86: {  	_ =	shalt  }
0x87: {  	_ =	shalt  }
.Lfunc_end0:
.L_simem_size_0:
called_computation_lowered:
.L_overlay_start_0:
0x88: {  	s0 =	sld [smem:$0x3FD9]  }
0x89: {  	s1 =	sld [smem:$0x3FFE];
	_ =	sdelay $0x3  }
0x8a: {  	s0 =	sadd.s32 s1, s0  }
0x8b: {  	[smem:$0x3FC2] =	sst s0  }
0x8c: {  	_ = 	snop  }
0x8d: {  	s0 =	sld [smem:$0x3FC9]  }
0x8e: {  	s17 =	sld [smem:$0x3FC8]  }
0x8f: {  	s2 =	sld [smem:$0x3FD0];
	(tm) =	ssettm $0x1  }
0x90: {  	s3 =	sld [smem:$0x3FFB];
	_ =	sdelay $0x3  }
0x91: {  	_ =	strace s3  }
0x92: {  	s3 =	sld [smem:$0x3FFC];
	_ =	sdelay $0x3  }
0x93: {  	_ =	strace s3  }
0x94: {  	s3 =	sld [smem:$0x3FFD];
	_ =	sdelay $0x3  }
0x95: {  	_ =	strace s3  }
0x96: {  	_ =	strace $0x8FFFFFFF  }
0x97: {  	s18 =	sld [smem:$0x3FDB];
	_ =	sdelay $0x1  }
0x98: {  	s4 =	simm.s32 $_scs_section_size  }
0x99: {  	s5 =	simm.s32 $_size__tile_overlayer_lowered;
	s6 =	simm.s32 $_tile_overlayer_lowered  }
0x9a: {  	s21 =	simm.s32 $0x1BFF;
	s20 =	sshll.u32 s6, $0x1;
	s3 =	sadd.s32 s4, s18  }
0x9b: {  	s7 =	simm.s32 $0x0;
	s19 =	sshll.u32 s5, $0x1;
	s5 =	sadd.s32 s20, s3  }
0x9c: {  	[timem:s7], [sflag:s21] =	dma.local [hbm:s5], s19  }
0x9d: {  	_ =	swait.ge [sflag:s21], s19  }
0x9e: {  	s4 =	ssub.s32 $0x0, s19;
	[sflag:s21] =	ssyncset.done $0x0  }
0x9f: {  	[sflag:s21] =	ssyncadd.s32 s4;
	_ =	sdelay $0x1  }
0xa0: {  	s22 =	simm.s32 $0x1B8B  }
0xa1: {  	_ =	swait.ge [sflag:s22], $0x1  }
0xa2: {  	[sflag:s22] =	ssyncset.done $0x0  }
0xa3: {  	s23 =	simm.s32 $0x1B8E;
	[sflag:s22] =	ssyncadd.s32 $0xFFFFFFFF  }
0xa4: {  	s24 =	simm.s32 $execute0_lowered;
	[smem:$0x3FD2] =	sst s23  }
0xa5: {  	s4 =	sshll.u32 s24, $0x1;
	_ =	strace $0x80000046;
	[dreg:$0x1] =	wrdreg $0xFFFFFFFF  }
0xa6: {  	s25 =	simm.s32 $_size_execute0_lowered;
	s3 =	sadd.s32 s3, s4;
	[dreg:$0x0] =	wrdreg $0x0  }
0xa7: {  	s4 =	sshll.u32 s25, $0x1;
	[dreg:$0x2] =	wrdreg s3  }
0xa8: {  	[dreg:$0x3] =	wrdreg s4  }
0xa9: {  	[dreg:$0x4] =	wrdreg $0xC0  }
0xaa: {  	_ =	task [dreg:s7], $0x5FFFF  }
0xab: {  	[dreg:$0x1] =	wrdreg $0xFFFFFFFF  }
0xac: {  	[dreg:$0x0] =	wrdreg $0x60  }
0xad: {  	[dreg:$0x2] =	wrdreg s17  }
0xae: {  	[dreg:$0x3] =	wrdreg s0  }
0xaf: {  	[dreg:$0x4] =	wrdreg s2  }
0xb0: {  	[dreg:$0x5] =	wrdreg $0x9  }
0xb1: {  	_ =	task.clear_ibuf [dreg:s7], $0x6FFFF;
	_ =	strace $0x90000046  }
0xb2: {  	s26 =	simm.s32 $0x9;
	_ =	strace $0x80000048  }
0xb3: {  	_ =	swait.ge [sflag:s26], $0x1  }
0xb4: {  	[sflag:s26] =	ssyncadd.s32 $0xFFFFFFFF  }
0xb5: {  	_ =	strace $0x90000048  }
0xb6: {  	_ =	sfence  }
0xb7: {  	s28 =	sld [smem:$0x0];
	_ =	sdelay $0x1  }
0xb8: {  	s29 =	srdreg.scid  }
0xb9: {  	s30 =	sshll.u32 s29, $0xD;
	s31 =	sshrl.u32 s29, $0x2  }
0xba: {  	s1 =	sand.u32 $0x1, s29;
	s2 =	sand.u32 $0x4000, s30;
	s0 =	sadd.s32 s31, s28  }
0xbb: {  	s1 =	sor.u32 s2, s1;
	s0 =	sshll.u32 s0, $0x11  }
0xbc: {  	s0 =	sor.u32 s0, s1  }
0xbd: {  	s0 =	sadd.s32 $0x8F2B, s0  }
0xbe: {  	[sflag:s0] =	ssyncadd.remote.s32 $0x1  }
0xbf: {  	_ =	sfence.sel $0xFFFF  }
0xc0: {  	[dreg:$0x0] =	wrdreg $0xFFFFFFFF;
	(pc) =	sbr.abs _section_cstart, $3  }
0xc1: {  	[dreg:$0x1] =	wrdreg $0xFFFFFFFF  }
0xc2: {  	_ =	task.clear_ibuf [dreg:s7], $0x2FFFF;
	_ =	strace $0x9FFFFFFF  }
0xc3: {  	(tm) =	ssettm $0x7FFFFFFF  }
tec
execute0_lowered:
.L_overlay_start_1:
0x0: {  	(tag) =	ssettag $0x1  }
0x1: {  	s0 =	stileid.u32  }
0x2: {  	s1 =	rddreg [dreg:$0x0];
	p0 =	sgt.u32 s0, $0xC  }
0x3: {  	s2 =	rddreg [dreg:$0x1];
	p1 =	seq.s32 @!p0 s0, $0xC  }
0x4: {  	s3 =	rddreg [dreg:$0x2];
	s4 =	sshll.u32 @!p0 s0, $0x4;
	p1 =	por !p1, p0  }
0x5: {  	s5 =	rddreg [dreg:$0x3];
	s6 =	simm.s32 $0x0;
	s4 =	simm.s32 @!p1 $0xB8  }
0x6: {  	[smem:$0x7FF] =	sst s6;
	s6 =	sshrl.u32 @!p0 s4, $0x3  }
0x7: {  	_ =	strace $0x80000047;
	s2 =	sadd.s32 @!p0 s2, s6;
	s6 =	simm.s32 @!p0 $0x0  }
0x8: {  	[tilespmem:s6], [sflag:$0x2] =	stream.linear.gather @!p0 [hbm4b:s2+s6], $0x10, $0x38;
	[tilespmem:$0x880] =	vst v63  }
0x9: {  	s2 =	simm.s32 @!p0 $0x2  }
0xa: {  	_ =	swait.ge @!p0 [sflag:s2], $0x10  }
0xb: {  	[sflag:s2] =	ssyncset.done @!p0 $0x0  }
0xc: {  	s7 =	simm.s32 @!p0 $0x10;
	s8 =	simm.s32 @!p0 $0x80;
	[sflag:s2] =	ssyncadd.s32 @!p0 $0xFFFFFFF0  }
0xd: {  	[tilespmem:s8], [sflag:$0x1] =	stream.indirect.gather @!p0 [hbm4b:s1+s7], $0x80, s6, s7, $0xb8;
	[tilespmem:$0x880] =	vst v63  }
0xe: {  	s1 =	simm.s32 @!p0 $0x1  }
0xf: {  	_ =	swait.ge @!p0 [sflag:s1], $0x800  }
0x10: {  	s4 =	sshll.u32 @!p0 s4, $0x4;
	[sflag:s1] =	ssyncset.done @!p0 $0x0  }
0x11: {  	s3 =	sadd.s32 @!p0 s3, s4;
	[sflag:s1] =	ssyncadd.s32 @!p0 $0xFFFFF800  }
0x12: {  	[hbm4b:s3+s6] =	stream.linear.scatter @!p0 [tilespmem:s8], [sflag:$0x2], $0x800, $0x38;
	[tilespmem:$0x880] =	vst v63  }
0x13: {  	_ =	swait.ge @!p0 [sflag:s2], $0x800  }
0x14: {  	[sflag:s2] =	ssyncset.done @!p0 $0x0  }
0x15: {  	[sflag:s2] =	ssyncadd.s32 @!p0 $0xFFFFF800  }
0x16: {  	_ =	sfence.sel $0x180000  }
0x17: {  	[bflag:$0x0] =	sbarrier.arrive $0xFFFF  }
0x18: {  	p0 =	sne.s32 s0, $0x0;
	_ =	strace $0x90000047  }
0x19: {  	s0 =	sadd.s32 @!p0 $0x100000, s5;
	[bflag:$0x2] =	sbarrier.arrive $0xFFFF  }
0x1a: {  	[sflag:s0] =	ssyncadd.tile.s32 @!p0 $0x1;
	_ =	shalt  }
.Lfunc_end2:
_tile_overlayer_lowered:
.L_overlay_start_2:
0x1b: {  	(tag) =	ssettag $0x2  }
0x1c: {  	s0 =	rddreg [dreg:$0x0];
	s2 =	stileid.u32  }
0x1d: {  	s1 =	rddreg [dreg:$0x1];
	p0 =	sne.s32 s2, $0x0  }
0x1e: {  	s3 =	rddreg [dreg:$0x2];
	[bflag:$0x3] =	sbarrier.arrive $0xFFFF;
	s2 =	simm.s32 @!p0 $0x1C02  }
0x1f: {  	[timem:s3], [sflag:s2] =	dma.local @!p0 [hbm:s0], s1  }
0x20: {  	s0 =	simm.s32 @!p0 $0x2  }
0x21: {  	_ =	swait.ge @!p0 [sflag:s0], s1  }
0x22: {  	s1 =	ssub.s32 @!p0 $0x0, s1;
	[sflag:s0] =	ssyncset.done @!p0 $0x0  }
0x23: {  	[sflag:s0] =	ssyncadd.s32 @!p0 s1  }
0x24: {  	[bflag:$0x3] =	sbarrier.arrive $0xFFFF  }
0x25: {  	_ =	shalt  }

</sc_bundles>
